<compile_context>
chip_gen: v7x
topology: tpu7x:2x2x1
jax: 0.10.2.dev20260603
libtpu: 0.0.44.dev20260713+nightly
codegen_flags: <defaults>
</compile_context>

<pallas_src>
import functools

import jax
import jax.numpy as jnp
from jax import lax
from jax.experimental import pallas as pl
from jax.experimental.pallas import tpu as pltpu
from jax.experimental.pallas import tpu_sc as plsc

_N = 10000
_E = 320000
_D = 128
_H = 128
_C = 64

_NC = 2
_NS = 16
_NW = _NC * _NS

_K = 125
_EROWS = 2560
_RPT = _EROWS // _NW
_RPT_F = 80
_RPT_S = 80

_NACC = _N
_ZR = 632
_ZL = _NACC - 15 * _ZR

_DA = 144


def _make_agg(d, ch):
  mesh = plsc.VectorSubcoreMesh(
      core_axis_name="c", subcore_axis_name="s",
      num_cores=_NC, num_subcores=_NS)

  @functools.partial(
      pl.kernel,
      mesh=mesh,
      out_type=jax.ShapeDtypeStruct((_NC, _NACC, d), jnp.float32),
      scratch_types=[
          pltpu.VMEM((ch, _K), jnp.int32),
          pltpu.VMEM((ch, _K), jnp.int32),
          pltpu.VMEM((_K, d), jnp.float32),
          pltpu.VMEM((_K, d), jnp.float32),
          pltpu.VMEM_SHARED((_NACC, d), jnp.float32),
          pltpu.SemaphoreType.DMA,
          pltpu.SemaphoreType.DMA,
          pltpu.SemaphoreType.DMA,
          pltpu.SemaphoreType.DMA,
          pltpu.SemaphoreType.DMA,
          pltpu.SemaphoreType.DMA,
      ],
      compiler_params=pltpu.CompilerParams(use_tc_tiling_on_sc=False),
  )
  def agg(table_hbm, src_hbm, dst_hbm, zeros_hbm, out_hbm,
          src_v, dst_v, rows0, rows1, acc_sh, isem0, isem1,
          gsem0, gsem1, ssem0, ssem1):
    cid = lax.axis_index("c")
    sid = lax.axis_index("s")
    my_base = jnp.where(cid == 0, sid * _RPT_F, 16 * _RPT_F + sid * _RPT_S)
    nch = jnp.where(cid == 0, _RPT_F // ch, _RPT_S // ch)
    rows = (rows0, rows1)
    gsem = (gsem0, gsem1)
    ssem = (ssem0, ssem1)

    @pl.when(sid < 15)
    def _():
      pltpu.sync_copy(zeros_hbm, acc_sh.at[pl.ds(sid * _ZR, _ZR)])

    @pl.when(sid == 15)
    def _():
      pltpu.sync_copy(zeros_hbm.at[pl.ds(0, _ZL)],
                      acc_sh.at[pl.ds(15 * _ZR, _ZL)])

    plsc.subcore_barrier()

    def start_gather(j, b):
      pltpu.async_copy(table_hbm.at[src_v.at[j]], rows[b], gsem[b])

    def wait_gather(b):
      pltpu.make_async_copy(table_hbm.at[src_v.at[0]], rows[b], gsem[b]).wait()

    def start_scatter(j, b):
      pltpu.async_copy(rows[b], acc_sh.at[dst_v.at[j]], ssem[b], add=True)

    def wait_scatter(b):
      pltpu.make_async_copy(rows[b], acc_sh.at[dst_v.at[0]], ssem[b]).wait()

    def chunk(c, carry):
      base = my_base + c * ch
      a = pltpu.async_copy(src_hbm.at[pl.ds(base, ch)], src_v, isem0)
      b = pltpu.async_copy(dst_hbm.at[pl.ds(base, ch)], dst_v, isem1)
      a.wait()
      b.wait()

      start_gather(0, 0)

      def pair(jj, carry2):
        j0 = 2 * jj

        @pl.when(jj >= 1)
        def _():
          wait_scatter(1)
        start_gather(j0 + 1, 1)
        wait_gather(0)
        start_scatter(j0, 0)

        wait_scatter(0)

        @pl.when(jj + 1 < ch // 2)
        def _():
          start_gather(j0 + 2, 0)
        wait_gather(1)
        start_scatter(j0 + 1, 1)
        return carry2

      lax.fori_loop(0, ch // 2, pair, 0)
      wait_scatter(1)
      return carry

    lax.fori_loop(0, nch, chunk, 0)
    plsc.subcore_barrier()

    @pl.when(sid < 15)
    def _():
      pltpu.sync_copy(acc_sh.at[pl.ds(sid * _ZR, _ZR)],
                      out_hbm.at[cid, pl.ds(sid * _ZR, _ZR)])

    @pl.when(sid == 15)
    def _():
      pltpu.sync_copy(acc_sh.at[pl.ds(15 * _ZR, _ZL)],
                      out_hbm.at[cid, pl.ds(15 * _ZR, _ZL)])

  return agg


_agg_da = _make_agg(_DA, 16)
_agg_c = _make_agg(_C, 80)

_RB = 2000


def _tc1_body(x_ref, a0_ref, a1_ref, ws1_ref, wn1_ref, b1_ref,
              ws2_ref, wn2_ref, hs2_ref, hw2_ref, rdeg_ref):
  a0 = a0_ref[0]
  a1 = a1_ref[0]
  s = a0[:, :_D] + a1[:, :_D]
  deg = a0[:, _D:_D + 1] + a1[:, _D:_D + 1]
  rdeg = 1.0 / jnp.maximum(deg, 1.0)
  mean = s * rdeg
  x = x_ref[...]
  dot = functools.partial(
      jax.lax.dot_general,
      dimension_numbers=(((1,), (1,)), ((), ())),
      preferred_element_type=jnp.float32)
  h = dot(x, ws1_ref[...]) + dot(mean, wn1_ref[...]) + b1_ref[...]
  h = jnp.maximum(h, 0.0)
  hs2_ref[...] = dot(h, ws2_ref[...])
  hw2_ref[...] = dot(h, wn2_ref[...])
  rdeg_ref[...] = jnp.broadcast_to(rdeg, (_RB, 8))


def _tc1(x, acc1, ws1, wn1, b1, ws2, wn2):
  grid = _N // _RB
  return pl.pallas_call(
      _tc1_body,
      grid=(grid,),
      in_specs=[
          pl.BlockSpec((_RB, _D), lambda i: (i, 0)),
          pl.BlockSpec((1, _RB, _DA), lambda i: (0, i, 0)),
          pl.BlockSpec((1, _RB, _DA), lambda i: (1, i, 0)),
          pl.BlockSpec((_H, _D), lambda i: (0, 0)),
          pl.BlockSpec((_H, _D), lambda i: (0, 0)),
          pl.BlockSpec((1, _H), lambda i: (0, 0)),
          pl.BlockSpec((_C, _H), lambda i: (0, 0)),
          pl.BlockSpec((_C, _H), lambda i: (0, 0)),
      ],
      out_specs=[
          pl.BlockSpec((_RB, _C), lambda i: (i, 0)),
          pl.BlockSpec((_RB, _C), lambda i: (i, 0)),
          pl.BlockSpec((_RB, 8), lambda i: (i, 0)),
      ],
      out_shape=[
          jax.ShapeDtypeStruct((_N, _C), jnp.float32),
          jax.ShapeDtypeStruct((_N, _C), jnp.float32),
          jax.ShapeDtypeStruct((_N, 8), jnp.float32),
      ],
  )(x, acc1, acc1, ws1, wn1, b1, ws2, wn2)


def _tc2_body(hs2_ref, a0_ref, a1_ref, rdeg_ref, b2_ref, out_ref):
  mean = (a0_ref[0] + a1_ref[0]) * rdeg_ref[:, :1]
  out_ref[...] = hs2_ref[...] + mean + b2_ref[...]


def _tc2(hs2, acc2, rdeg, b2):
  grid = _N // _RB
  return pl.pallas_call(
      _tc2_body,
      grid=(grid,),
      in_specs=[
          pl.BlockSpec((_RB, _C), lambda i: (i, 0)),
          pl.BlockSpec((1, _RB, _C), lambda i: (0, i, 0)),
          pl.BlockSpec((1, _RB, _C), lambda i: (1, i, 0)),
          pl.BlockSpec((_RB, 8), lambda i: (i, 0)),
          pl.BlockSpec((1, _C), lambda i: (0, 0)),
      ],
      out_specs=pl.BlockSpec((_RB, _C), lambda i: (i, 0)),
      out_shape=jax.ShapeDtypeStruct((_N, _C), jnp.float32),
  )(hs2, acc2, acc2, rdeg, b2)


def kernel(x, edge_index, W_self1, W_neigh1, b1, W_self2, W_neigh2, b2):
  src_p = edge_index[0].reshape(_EROWS, _K)
  dst_p = edge_index[1].reshape(_EROWS, _K)

  x_aug = jnp.concatenate(
      [x, jnp.ones((_N, 1), jnp.float32), jnp.zeros((_N, _DA - _D - 1), jnp.float32)],
      axis=1)
  zeros_da = jnp.zeros((_ZR, _DA), jnp.float32)
  zeros_c = jnp.zeros((_ZR, _C), jnp.float32)

  acc1 = _agg_da(x_aug, src_p, dst_p, zeros_da)
  hs2, hw2, rdeg = _tc1(x, acc1, W_self1, W_neigh1, b1.reshape(1, _H),
                        W_self2, W_neigh2)
  acc2 = _agg_c(hw2, src_p, dst_p, zeros_c)
  return _tc2(hs2, acc2, rdeg, b2.reshape(1, _C))

# --- scband reference (transcript-rebuilt; emitter-appended) ---
"""Pipeline reference for scband-sage2-47004122087520 (READ-ONLY COPY).

The authoritative reference and input builder live on the scoring server;
editing this copy changes nothing except your own understanding.
"""

import jax, jax.numpy as jnp
import numpy as np

N = 10000
E = 320000
D = 128
H = 128
C = 64


def setup_inputs(seed: int = 0) -> dict:
    key = jax.random.key(seed)
    ks = jax.random.split(key, 8)
    x = jax.random.normal(ks[0], (N, D), dtype=jnp.float32)
    edge_index = jax.random.randint(ks[1], (2, E), 0, N, dtype=jnp.int32)
    s_in = 1.0 / np.sqrt(D)
    s_h = 1.0 / np.sqrt(H)
    W_self1 = jax.random.normal(ks[2], (H, D), dtype=jnp.float32) * s_in
    W_neigh1 = jax.random.normal(ks[3], (H, D), dtype=jnp.float32) * s_in
    b1 = jnp.zeros((H,), dtype=jnp.float32)
    W_self2 = jax.random.normal(ks[4], (C, H), dtype=jnp.float32) * s_h
    W_neigh2 = jax.random.normal(ks[5], (C, H), dtype=jnp.float32) * s_h
    b2 = jnp.zeros((C,), dtype=jnp.float32)
    return {"x": x, "edge_index": edge_index, "W_self1": W_self1, "W_neigh1": W_neigh1,
            "b1": b1, "W_self2": W_self2, "W_neigh2": W_neigh2, "b2": b2}


def _sage_conv(h, src, dst, W_self, W_neigh, b, n_nodes):
    # DGL SAGEConv with 'mean' aggregator:
    #   rst = fc_self(h_dst) + fc_neigh(mean_{src in N(dst)} h_src) + bias
    msg = h[src]                                            # gather [E, d]
    summed = jax.ops.segment_sum(msg, dst, num_segments=n_nodes)
    deg = jax.ops.segment_sum(jnp.ones((msg.shape[0],), h.dtype), dst, num_segments=n_nodes)
    mean = summed / jnp.clip(deg, 1.0)[:, None]             # 0 for isolated nodes
    return h @ W_self.T + mean @ W_neigh.T + b


def reference(x, edge_index, W_self1, W_neigh1, b1, W_self2, W_neigh2, b2):
    src = edge_index[0]
    dst = edge_index[1]
    h = _sage_conv(x, src, dst, W_self1, W_neigh1, b1, N)
    h = jax.nn.relu(h)
    # dropout in eval mode -> identity
    h = _sage_conv(h, src, dst, W_self2, W_neigh2, b2, N)
    return h

if __name__ == "__main__":
    import jax
    _d = setup_inputs()
    print(jax.jit(kernel)(*tuple(_d.values())))

</pallas_src>

<mosaic_0001>
#map = affine_map<(d0, d1) -> (0, 0)>
#map1 = affine_map<(d0, d1) -> (0, 0, 0)>
module attributes {stable_mosaic.version = 14 : i64} {
  func.func @agg(%arg0: i32, %arg1: i32, %arg2: memref<10000x144xf32, #tpu.memory_space<hbm>>, %arg3: memref<2560x125xi32, #tpu.memory_space<hbm>>, %arg4: memref<2560x125xi32, #tpu.memory_space<hbm>>, %arg5: memref<632x144xf32, #tpu.memory_space<hbm>>, %arg6: memref<2x10000x144xf32, #tpu.memory_space<hbm>>, %arg7: memref<16x125xi32, #tpu.memory_space<vmem>>, %arg8: memref<16x125xi32, #tpu.memory_space<vmem>>, %arg9: memref<125x144xf32, #tpu.memory_space<vmem>>, %arg10: memref<125x144xf32, #tpu.memory_space<vmem>>, %arg11: memref<10000x144xf32, #tpu.memory_space<vmem_shared>>, %arg12: memref<!tpu.dma_semaphore, #tpu.memory_space<semaphore_mem>>, %arg13: memref<!tpu.dma_semaphore, #tpu.memory_space<semaphore_mem>>, %arg14: memref<!tpu.dma_semaphore, #tpu.memory_space<semaphore_mem>>, %arg15: memref<!tpu.dma_semaphore, #tpu.memory_space<semaphore_mem>>, %arg16: memref<!tpu.dma_semaphore, #tpu.memory_space<semaphore_mem>>, %arg17: memref<!tpu.dma_semaphore, #tpu.memory_space<semaphore_mem>>) attributes {dimension_semantics = [#tpu.dimension_semantics<core_parallel>, #tpu.dimension_semantics<subcore_parallel>], iteration_bounds = array<i64: 2, 16>, scalar_prefetch = 0 : i64, scratch_operands = 11 : i64, tpu.core_type = #tpu.core_type<sc_vector_subcore>, window_params = [{transform_indices = #map}, {transform_indices = #map}, {transform_indices = #map}, {transform_indices = #map}, {transform_indices = #map1}]} {
    %eq3A = arith.constant 0 : i32
    %eq3A_0 = arith.cmpi eq, %arg0, %eq3A : i32
    %mul3A = arith.constant 80 : i32
    %mul3A_1 = arith.muli %arg1, %mul3A : i32
    %mul3A_2 = arith.constant 80 : i32
    %mul3A_3 = arith.muli %arg1, %mul3A_2 : i32
    %add3A = arith.constant 1280 : i32
    %add3A_4 = arith.addi %add3A, %mul3A_3 : i32
    %select_n3A = arith.select %eq3A_0, %mul3A_1, %add3A_4 : i32
    %eq3A_5 = arith.constant 0 : i32
    %eq3A_6 = arith.cmpi eq, %arg0, %eq3A_5 : i32
    %jit3A = arith.constant 5 : i32
    %jit3A_7 = arith.constant 5 : i32
    %select_n3A_8 = arith.select %eq3A_6, %jit3A, %jit3A_7 : i32
    %lt3A = arith.constant 15 : i32
    %lt3A_9 = arith.cmpi slt, %arg1, %lt3A : i32
    %convert_element_type3A = arith.extui %lt3A_9 : i1 to i32
    %cond3A = arith.constant 0 : i32
    %cond3A_10 = arith.cmpi ne, %convert_element_type3A, %cond3A : i32
    scf.if %cond3A_10 {
      %mul3A_36 = arith.constant 632 : i32
      %mul3A_37 = arith.muli %arg1, %mul3A_36 : i32
      "tpu.region"() ({
        %run_scoped3A = tpu.sem_alloc : memref<!tpu.dma_semaphore, #tpu.memory_space<semaphore_mem>>
        %dma_start3A = arith.constant 0 : i32
        %dma_start3A_38 = tpu.memref_slice %arg11[%mul3A_37, %dma_start3A] : memref<10000x144xf32, #tpu.memory_space<vmem_shared>> -> memref<632x144xf32, #tpu.memory_space<vmem_shared>>
        tpu.enqueue_dma source(%arg5 : memref<632x144xf32, #tpu.memory_space<hbm>>) target(%dma_start3A_38 : memref<632x144xf32, #tpu.memory_space<vmem_shared>>) target_semaphore(%run_scoped3A : memref<!tpu.dma_semaphore, #tpu.memory_space<semaphore_mem>>)
        %dma_wait3A = arith.constant 0 : i32
        %dma_wait3A_39 = tpu.memref_slice %arg11[%mul3A_37, %dma_wait3A] : memref<10000x144xf32, #tpu.memory_space<vmem_shared>> -> memref<632x144xf32, #tpu.memory_space<vmem_shared>>
        tpu.wait_dma2 semaphore(%run_scoped3A : memref<!tpu.dma_semaphore, #tpu.memory_space<semaphore_mem>>) src(%arg5 : memref<632x144xf32, #tpu.memory_space<hbm>>) dst(%dma_wait3A_39 : memref<632x144xf32, #tpu.memory_space<vmem_shared>>)
        tpu.yield
      }) : () -> ()
    } else {
    }
    %eq3A_11 = arith.constant 15 : i32
    %eq3A_12 = arith.cmpi eq, %arg1, %eq3A_11 : i32
    %convert_element_type3A_13 = arith.extui %eq3A_12 : i1 to i32
    %cond3A_14 = arith.constant 0 : i32
    %cond3A_15 = arith.cmpi ne, %convert_element_type3A_13, %cond3A_14 : i32
    scf.if %cond3A_15 {
      "tpu.region"() ({
        %run_scoped3A = tpu.sem_alloc : memref<!tpu.dma_semaphore, #tpu.memory_space<semaphore_mem>>
        %dma_start3A = arith.constant 9480 : i32
        %dma_start3A_36 = arith.constant 0 : i32
        %dma_start3A_37 = tpu.memref_slice %arg11[%dma_start3A, %dma_start3A_36] : memref<10000x144xf32, #tpu.memory_space<vmem_shared>> -> memref<520x144xf32, #tpu.memory_space<vmem_shared>>
        %dma_start3A_38 = arith.constant 0 : i32
        %dma_start3A_39 = arith.constant 0 : i32
        %dma_start3A_40 = tpu.memref_slice %arg5[%dma_start3A_38, %dma_start3A_39] : memref<632x144xf32, #tpu.memory_space<hbm>> -> memref<520x144xf32, #tpu.memory_space<hbm>>
        tpu.enqueue_dma source(%dma_start3A_40 : memref<520x144xf32, #tpu.memory_space<hbm>>) target(%dma_start3A_37 : memref<520x144xf32, #tpu.memory_space<vmem_shared>>) target_semaphore(%run_scoped3A : memref<!tpu.dma_semaphore, #tpu.memory_space<semaphore_mem>>)
        %dma_wait3A = arith.constant 9480 : i32
        %dma_wait3A_41 = arith.constant 0 : i32
        %dma_wait3A_42 = tpu.memref_slice %arg11[%dma_wait3A, %dma_wait3A_41] : memref<10000x144xf32, #tpu.memory_space<vmem_shared>> -> memref<520x144xf32, #tpu.memory_space<vmem_shared>>
        %dma_wait3A_43 = arith.constant 0 : i32
        %dma_wait3A_44 = arith.constant 0 : i32
        %dma_wait3A_45 = tpu.memref_slice %arg5[%dma_wait3A_43, %dma_wait3A_44] : memref<632x144xf32, #tpu.memory_space<hbm>> -> memref<520x144xf32, #tpu.memory_space<hbm>>
        tpu.wait_dma2 semaphore(%run_scoped3A : memref<!tpu.dma_semaphore, #tpu.memory_space<semaphore_mem>>) src(%dma_wait3A_45 : memref<520x144xf32, #tpu.memory_space<hbm>>) dst(%dma_wait3A_42 : memref<520x144xf32, #tpu.memory_space<vmem_shared>>)
        tpu.yield
      }) : () -> ()
    } else {
    }
    %barrier3A = arith.constant 0 : index
    tpu.barrier barrier_id(%barrier3A)
    %while3A = arith.constant 0 : i32
    %while3A_16 = arith.constant 0 : i32
    %while3A_17 = arith.subi %select_n3A_8, %while3A_16 : i32
    %while3A_18 = arith.addi %while3A_16, %while3A_17 : i32
    %while3A_19 = arith.constant 1 : i32
    %while3A_20 = arith.divsi %while3A_17, %while3A_19 : i32
    %while3A_21 = arith.muli %while3A_20, %while3A_19 : i32
    %while3A_22 = arith.addi %while3A_16, %while3A_21 : i32
    %while3A_23 = arith.constant 1 : i32
    scf.for %while3A_36 = %while3A_16 to %while3A_22 step %while3A_23  : i32 {
      %mul3A_37 = arith.constant 16 : i32
      %mul3A_38 = arith.muli %while3A_36, %mul3A_37 : i32
      %add3A_39 = arith.addi %select_n3A, %mul3A_38 : i32
      %dma_start3A = arith.constant 0 : i32
      %dma_start3A_40 = tpu.memref_slice %arg3[%add3A_39, %dma_start3A] : memref<2560x125xi32, #tpu.memory_space<hbm>> -> memref<16x125xi32, #tpu.memory_space<hbm>>
      %dma_start3A_41 = arith.constant 0 : i32
      %dma_start3A_42 = tpu.memref_slice %arg3[%add3A_39, %dma_start3A_41] : memref<2560x125xi32, #tpu.memory_space<hbm>> -> memref<16x125xi32, #tpu.memory_space<hbm>>
      tpu.enqueue_dma source(%dma_start3A_42 : memref<16x125xi32, #tpu.memory_space<hbm>>) target(%arg7 : memref<16x125xi32, #tpu.memory_space<vmem>>) target_semaphore(%arg12 : memref<!tpu.dma_semaphore, #tpu.memory_space<semaphore_mem>>)
      %dma_start3A_43 = arith.constant 0 : i32
      %dma_start3A_44 = tpu.memref_slice %arg4[%add3A_39, %dma_start3A_43] : memref<2560x125xi32, #tpu.memory_space<hbm>> -> memref<16x125xi32, #tpu.memory_space<hbm>>
      %dma_start3A_45 = arith.constant 0 : i32
      %dma_start3A_46 = tpu.memref_slice %arg4[%add3A_39, %dma_start3A_45] : memref<2560x125xi32, #tpu.memory_space<hbm>> -> memref<16x125xi32, #tpu.memory_space<hbm>>
      tpu.enqueue_dma source(%dma_start3A_46 : memref<16x125xi32, #tpu.memory_space<hbm>>) target(%arg8 : memref<16x125xi32, #tpu.memory_space<vmem>>) target_semaphore(%arg13 : memref<!tpu.dma_semaphore, #tpu.memory_space<semaphore_mem>>)
      %dma_wait3A = arith.constant 0 : i32
      %dma_wait3A_47 = tpu.memref_slice %arg3[%add3A_39, %dma_wait3A] : memref<2560x125xi32, #tpu.memory_space<hbm>> -> memref<16x125xi32, #tpu.memory_space<hbm>>
      %dma_wait3A_48 = arith.constant 0 : i32
      %dma_wait3A_49 = tpu.memref_slice %arg3[%add3A_39, %dma_wait3A_48] : memref<2560x125xi32, #tpu.memory_space<hbm>> -> memref<16x125xi32, #tpu.memory_space<hbm>>
      tpu.wait_dma2 semaphore(%arg12 : memref<!tpu.dma_semaphore, #tpu.memory_space<semaphore_mem>>) src(%dma_wait3A_49 : memref<16x125xi32, #tpu.memory_space<hbm>>) dst(%arg7 : memref<16x125xi32, #tpu.memory_space<vmem>>)
      %dma_wait3A_50 = arith.constant 0 : i32
      %dma_wait3A_51 = tpu.memref_slice %arg4[%add3A_39, %dma_wait3A_50] : memref<2560x125xi32, #tpu.memory_space<hbm>> -> memref<16x125xi32, #tpu.memory_space<hbm>>
      %dma_wait3A_52 = arith.constant 0 : i32
      %dma_wait3A_53 = tpu.memref_slice %arg4[%add3A_39, %dma_wait3A_52] : memref<2560x125xi32, #tpu.memory_space<hbm>> -> memref<16x125xi32, #tpu.memory_space<hbm>>
      tpu.wait_dma2 semaphore(%arg13 : memref<!tpu.dma_semaphore, #tpu.memory_space<semaphore_mem>>) src(%dma_wait3A_53 : memref<16x125xi32, #tpu.memory_space<hbm>>) dst(%arg8 : memref<16x125xi32, #tpu.memory_space<vmem>>)
      %dma_start3A_54 = arith.constant 0 : i32
      %dma_start3A_55 = arith.constant 0 : i32
      %dma_start3A_56 = tpu.memref_slice %arg7[%dma_start3A_54, %dma_start3A_55] : memref<16x125xi32, #tpu.memory_space<vmem>> -> memref<1x125xi32, #tpu.memory_space<vmem>>
      %dma_start3A_57 = tpu.memref_squeeze %dma_start3A_56 : memref<1x125xi32, #tpu.memory_space<vmem>> -> memref<125xi32, #tpu.memory_space<vmem>>
      %dma_start3A_58 = arith.constant 0 : i32
      %dma_start3A_59 = arith.constant 0 : i32
      %dma_start3A_60 = tpu.memref_slice %arg2[%dma_start3A_58, %dma_start3A_59] : memref<10000x144xf32, #tpu.memory_space<hbm>> -> memref<10000x144xf32, #tpu.memory_space<hbm>>
      tpu.enqueue_indirect_dma source(%dma_start3A_60 : memref<10000x144xf32, #tpu.memory_space<hbm>>) target(%arg9 : memref<125x144xf32, #tpu.memory_space<vmem>>) offsets(%dma_start3A_57 : memref<125xi32, #tpu.memory_space<vmem>>) semaphore(%arg14 : memref<!tpu.dma_semaphore, #tpu.memory_space<semaphore_mem>>)
      %scan3A = arith.constant 0 : i32
      %scan3A_61 = arith.constant 0 : i32
      %scan3A_62 = arith.constant 8 : i32
      %scan3A_63 = arith.addi %scan3A_61, %scan3A_62 : i32
      %scan3A_64 = arith.constant 1 : i32
      scf.for %scan3A_73 = %scan3A_61 to %scan3A_63 step %scan3A_64  : i32 {
        %mul3A_74 = arith.constant 2 : i32
        %mul3A_75 = arith.muli %mul3A_74, %scan3A_73 : i32
        %ge3A = arith.constant 1 : i32
        %ge3A_76 = arith.cmpi sge, %scan3A_73, %ge3A : i32
        %convert_element_type3A_77 = arith.extui %ge3A_76 : i1 to i32
        %cond3A_78 = arith.constant 0 : i32
        %cond3A_79 = arith.cmpi ne, %convert_element_type3A_77, %cond3A_78 : i32
        scf.if %cond3A_79 {
          %dma_wait3A_130 = arith.constant 0 : i32
          %dma_wait3A_131 = arith.constant 0 : i32
          %dma_wait3A_132 = tpu.memref_slice %arg8[%dma_wait3A_130, %dma_wait3A_131] : memref<16x125xi32, #tpu.memory_space<vmem>> -> memref<1x125xi32, #tpu.memory_space<vmem>>
          %dma_wait3A_133 = tpu.memref_squeeze %dma_wait3A_132 : memref<1x125xi32, #tpu.memory_space<vmem>> -> memref<125xi32, #tpu.memory_space<vmem>>
          %dma_wait3A_134 = arith.constant 0 : i32
          %dma_wait3A_135 = arith.constant 0 : i32
          %dma_wait3A_136 = tpu.memref_slice %arg11[%dma_wait3A_134, %dma_wait3A_135] : memref<10000x144xf32, #tpu.memory_space<vmem_shared>> -> memref<10000x144xf32, #tpu.memory_space<vmem_shared>>
          tpu.wait_indirect_dma semaphore(%arg17 : memref<!tpu.dma_semaphore, #tpu.memory_space<semaphore_mem>>) src(%arg10 : memref<125x144xf32, #tpu.memory_space<vmem>>) dst(%dma_wait3A_136 : memref<10000x144xf32, #tpu.memory_space<vmem_shared>>)
        } else {
        }
        %add3A_80 = arith.constant 1 : i32
        %add3A_81 = arith.addi %mul3A_75, %add3A_80 : i32
        %dma_start3A_82 = arith.constant 0 : i32
        %dma_start3A_83 = tpu.memref_slice %arg7[%add3A_81, %dma_start3A_82] : memref<16x125xi32, #tpu.memory_space<vmem>> -> memref<1x125xi32, #tpu.memory_space<vmem>>
        %dma_start3A_84 = tpu.memref_squeeze %dma_start3A_83 : memref<1x125xi32, #tpu.memory_space<vmem>> -> memref<125xi32, #tpu.memory_space<vmem>>
        %dma_start3A_85 = arith.constant 0 : i32
        %dma_start3A_86 = arith.constant 0 : i32
        %dma_start3A_87 = tpu.memref_slice %arg2[%dma_start3A_85, %dma_start3A_86] : memref<10000x144xf32, #tpu.memory_space<hbm>> -> memref<10000x144xf32, #tpu.memory_space<hbm>>
        tpu.enqueue_indirect_dma source(%dma_start3A_87 : memref<10000x144xf32, #tpu.memory_space<hbm>>) target(%arg10 : memref<125x144xf32, #tpu.memory_space<vmem>>) offsets(%dma_start3A_84 : memref<125xi32, #tpu.memory_space<vmem>>) semaphore(%arg15 : memref<!tpu.dma_semaphore, #tpu.memory_space<semaphore_mem>>)
        %dma_wait3A_88 = arith.constant 0 : i32
        %dma_wait3A_89 = arith.constant 0 : i32
        %dma_wait3A_90 = tpu.memref_slice %arg7[%dma_wait3A_88, %dma_wait3A_89] : memref<16x125xi32, #tpu.memory_space<vmem>> -> memref<1x125xi32, #tpu.memory_space<vmem>>
        %dma_wait3A_91 = tpu.memref_squeeze %dma_wait3A_90 : memref<1x125xi32, #tpu.memory_space<vmem>> -> memref<125xi32, #tpu.memory_space<vmem>>
        %dma_wait3A_92 = arith.constant 0 : i32
        %dma_wait3A_93 = arith.constant 0 : i32
        %dma_wait3A_94 = tpu.memref_slice %arg2[%dma_wait3A_92, %dma_wait3A_93] : memref<10000x144xf32, #tpu.memory_space<hbm>> -> memref<10000x144xf32, #tpu.memory_space<hbm>>
        tpu.wait_indirect_dma semaphore(%arg14 : memref<!tpu.dma_semaphore, #tpu.memory_space<semaphore_mem>>) src(%dma_wait3A_94 : memref<10000x144xf32, #tpu.memory_space<hbm>>) dst(%arg9 : memref<125x144xf32, #tpu.memory_space<vmem>>)
        %dma_start3A_95 = arith.constant 0 : i32
        %dma_start3A_96 = tpu.memref_slice %arg8[%mul3A_75, %dma_start3A_95] : memref<16x125xi32, #tpu.memory_space<vmem>> -> memref<1x125xi32, #tpu.memory_space<vmem>>
        %dma_start3A_97 = tpu.memref_squeeze %dma_start3A_96 : memref<1x125xi32, #tpu.memory_space<vmem>> -> memref<125xi32, #tpu.memory_space<vmem>>
        %dma_start3A_98 = arith.constant 0 : i32
        %dma_start3A_99 = arith.constant 0 : i32
        %dma_start3A_100 = tpu.memref_slice %arg11[%dma_start3A_98, %dma_start3A_99] : memref<10000x144xf32, #tpu.memory_space<vmem_shared>> -> memref<10000x144xf32, #tpu.memory_space<vmem_shared>>
        tpu.enqueue_indirect_dma source(%arg9 : memref<125x144xf32, #tpu.memory_space<vmem>>) target(%dma_start3A_100 : memref<10000x144xf32, #tpu.memory_space<vmem_shared>>) offsets(%dma_start3A_97 : memref<125xi32, #tpu.memory_space<vmem>>) semaphore(%arg16 : memref<!tpu.dma_semaphore, #tpu.memory_space<semaphore_mem>>) {add = true}
        %dma_wait3A_101 = arith.constant 0 : i32
        %dma_wait3A_102 = arith.constant 0 : i32
        %dma_wait3A_103 = tpu.memref_slice %arg8[%dma_wait3A_101, %dma_wait3A_102] : memref<16x125xi32, #tpu.memory_space<vmem>> -> memref<1x125xi32, #tpu.memory_space<vmem>>
        %dma_wait3A_104 = tpu.memref_squeeze %dma_wait3A_103 : memref<1x125xi32, #tpu.memory_space<vmem>> -> memref<125xi32, #tpu.memory_space<vmem>>
        %dma_wait3A_105 = arith.constant 0 : i32
        %dma_wait3A_106 = arith.constant 0 : i32
        %dma_wait3A_107 = tpu.memref_slice %arg11[%dma_wait3A_105, %dma_wait3A_106] : memref<10000x144xf32, #tpu.memory_space<vmem_shared>> -> memref<10000x144xf32, #tpu.memory_space<vmem_shared>>
        tpu.wait_indirect_dma semaphore(%arg16 : memref<!tpu.dma_semaphore, #tpu.memory_space<semaphore_mem>>) src(%arg9 : memref<125x144xf32, #tpu.memory_space<vmem>>) dst(%dma_wait3A_107 : memref<10000x144xf32, #tpu.memory_space<vmem_shared>>)
        %add3A_108 = arith.constant 1 : i32
        %add3A_109 = arith.addi %scan3A_73, %add3A_108 : i32
        %lt3A_110 = arith.constant 8 : i32
        %lt3A_111 = arith.cmpi slt, %add3A_109, %lt3A_110 : i32
        %convert_element_type3A_112 = arith.extui %lt3A_111 : i1 to i32
        %cond3A_113 = arith.constant 0 : i32
        %cond3A_114 = arith.cmpi ne, %convert_element_type3A_112, %cond3A_113 : i32
        scf.if %cond3A_114 {
          %add3A_130 = arith.constant 2 : i32
          %add3A_131 = arith.addi %mul3A_75, %add3A_130 : i32
          %dma_start3A_132 = arith.constant 0 : i32
          %dma_start3A_133 = tpu.memref_slice %arg7[%add3A_131, %dma_start3A_132] : memref<16x125xi32, #tpu.memory_space<vmem>> -> memref<1x125xi32, #tpu.memory_space<vmem>>
          %dma_start3A_134 = tpu.memref_squeeze %dma_start3A_133 : memref<1x125xi32, #tpu.memory_space<vmem>> -> memref<125xi32, #tpu.memory_space<vmem>>
          %dma_start3A_135 = arith.constant 0 : i32
          %dma_start3A_136 = arith.constant 0 : i32
          %dma_start3A_137 = tpu.memref_slice %arg2[%dma_start3A_135, %dma_start3A_136] : memref<10000x144xf32, #tpu.memory_space<hbm>> -> memref<10000x144xf32, #tpu.memory_space<hbm>>
          tpu.enqueue_indirect_dma source(%dma_start3A_137 : memref<10000x144xf32, #tpu.memory_space<hbm>>) target(%arg9 : memref<125x144xf32, #tpu.memory_space<vmem>>) offsets(%dma_start3A_134 : memref<125xi32, #tpu.memory_space<vmem>>) semaphore(%arg14 : memref<!tpu.dma_semaphore, #tpu.memory_space<semaphore_mem>>)
        } else {
        }
        %dma_wait3A_115 = arith.constant 0 : i32
        %dma_wait3A_116 = arith.constant 0 : i32
        %dma_wait3A_117 = tpu.memref_slice %arg7[%dma_wait3A_115, %dma_wait3A_116] : memref<16x125xi32, #tpu.memory_space<vmem>> -> memref<1x125xi32, #tpu.memory_space<vmem>>
        %dma_wait3A_118 = tpu.memref_squeeze %dma_wait3A_117 : memref<1x125xi32, #tpu.memory_space<vmem>> -> memref<125xi32, #tpu.memory_space<vmem>>
        %dma_wait3A_119 = arith.constant 0 : i32
        %dma_wait3A_120 = arith.constant 0 : i32
        %dma_wait3A_121 = tpu.memref_slice %arg2[%dma_wait3A_119, %dma_wait3A_120] : memref<10000x144xf32, #tpu.memory_space<hbm>> -> memref<10000x144xf32, #tpu.memory_space<hbm>>
        tpu.wait_indirect_dma semaphore(%arg15 : memref<!tpu.dma_semaphore, #tpu.memory_space<semaphore_mem>>) src(%dma_wait3A_121 : memref<10000x144xf32, #tpu.memory_space<hbm>>) dst(%arg10 : memref<125x144xf32, #tpu.memory_space<vmem>>)
        %add3A_122 = arith.constant 1 : i32
        %add3A_123 = arith.addi %mul3A_75, %add3A_122 : i32
        %dma_start3A_124 = arith.constant 0 : i32
        %dma_start3A_125 = tpu.memref_slice %arg8[%add3A_123, %dma_start3A_124] : memref<16x125xi32, #tpu.memory_space<vmem>> -> memref<1x125xi32, #tpu.memory_space<vmem>>
        %dma_start3A_126 = tpu.memref_squeeze %dma_start3A_125 : memref<1x125xi32, #tpu.memory_space<vmem>> -> memref<125xi32, #tpu.memory_space<vmem>>
        %dma_start3A_127 = arith.constant 0 : i32
        %dma_start3A_128 = arith.constant 0 : i32
        %dma_start3A_129 = tpu.memref_slice %arg11[%dma_start3A_127, %dma_start3A_128] : memref<10000x144xf32, #tpu.memory_space<vmem_shared>> -> memref<10000x144xf32, #tpu.memory_space<vmem_shared>>
        tpu.enqueue_indirect_dma source(%arg10 : memref<125x144xf32, #tpu.memory_space<vmem>>) target(%dma_start3A_129 : memref<10000x144xf32, #tpu.memory_space<vmem_shared>>) offsets(%dma_start3A_126 : memref<125xi32, #tpu.memory_space<vmem>>) semaphore(%arg17 : memref<!tpu.dma_semaphore, #tpu.memory_space<semaphore_mem>>) {add = true}
      }
      %scan3A_65 = arith.constant 8 : i32
      %dma_wait3A_66 = arith.constant 0 : i32
      %dma_wait3A_67 = arith.constant 0 : i32
      %dma_wait3A_68 = tpu.memref_slice %arg8[%dma_wait3A_66, %dma_wait3A_67] : memref<16x125xi32, #tpu.memory_space<vmem>> -> memref<1x125xi32, #tpu.memory_space<vmem>>
      %dma_wait3A_69 = tpu.memref_squeeze %dma_wait3A_68 : memref<1x125xi32, #tpu.memory_space<vmem>> -> memref<125xi32, #tpu.memory_space<vmem>>
      %dma_wait3A_70 = arith.constant 0 : i32
      %dma_wait3A_71 = arith.constant 0 : i32
      %dma_wait3A_72 = tpu.memref_slice %arg11[%dma_wait3A_70, %dma_wait3A_71] : memref<10000x144xf32, #tpu.memory_space<vmem_shared>> -> memref<10000x144xf32, #tpu.memory_space<vmem_shared>>
      tpu.wait_indirect_dma semaphore(%arg17 : memref<!tpu.dma_semaphore, #tpu.memory_space<semaphore_mem>>) src(%arg10 : memref<125x144xf32, #tpu.memory_space<vmem>>) dst(%dma_wait3A_72 : memref<10000x144xf32, #tpu.memory_space<vmem_shared>>)
    }
    %while3A_24 = arith.constant 1 : i32
    scf.for %while3A_36 = %while3A_22 to %while3A_18 step %while3A_24  : i32 {
      %mul3A_37 = arith.constant 16 : i32
      %mul3A_38 = arith.muli %while3A_36, %mul3A_37 : i32
      %add3A_39 = arith.addi %select_n3A, %mul3A_38 : i32
      %dma_start3A = arith.constant 0 : i32
      %dma_start3A_40 = tpu.memref_slice %arg3[%add3A_39, %dma_start3A] : memref<2560x125xi32, #tpu.memory_space<hbm>> -> memref<16x125xi32, #tpu.memory_space<hbm>>
      %dma_start3A_41 = arith.constant 0 : i32
      %dma_start3A_42 = tpu.memref_slice %arg3[%add3A_39, %dma_start3A_41] : memref<2560x125xi32, #tpu.memory_space<hbm>> -> memref<16x125xi32, #tpu.memory_space<hbm>>
      tpu.enqueue_dma source(%dma_start3A_42 : memref<16x125xi32, #tpu.memory_space<hbm>>) target(%arg7 : memref<16x125xi32, #tpu.memory_space<vmem>>) target_semaphore(%arg12 : memref<!tpu.dma_semaphore, #tpu.memory_space<semaphore_mem>>)
      %dma_start3A_43 = arith.constant 0 : i32
      %dma_start3A_44 = tpu.memref_slice %arg4[%add3A_39, %dma_start3A_43] : memref<2560x125xi32, #tpu.memory_space<hbm>> -> memref<16x125xi32, #tpu.memory_space<hbm>>
      %dma_start3A_45 = arith.constant 0 : i32
      %dma_start3A_46 = tpu.memref_slice %arg4[%add3A_39, %dma_start3A_45] : memref<2560x125xi32, #tpu.memory_space<hbm>> -> memref<16x125xi32, #tpu.memory_space<hbm>>
      tpu.enqueue_dma source(%dma_start3A_46 : memref<16x125xi32, #tpu.memory_space<hbm>>) target(%arg8 : memref<16x125xi32, #tpu.memory_space<vmem>>) target_semaphore(%arg13 : memref<!tpu.dma_semaphore, #tpu.memory_space<semaphore_mem>>)
      %dma_wait3A = arith.constant 0 : i32
      %dma_wait3A_47 = tpu.memref_slice %arg3[%add3A_39, %dma_wait3A] : memref<2560x125xi32, #tpu.memory_space<hbm>> -> memref<16x125xi32, #tpu.memory_space<hbm>>
      %dma_wait3A_48 = arith.constant 0 : i32
      %dma_wait3A_49 = tpu.memref_slice %arg3[%add3A_39, %dma_wait3A_48] : memref<2560x125xi32, #tpu.memory_space<hbm>> -> memref<16x125xi32, #tpu.memory_space<hbm>>
      tpu.wait_dma2 semaphore(%arg12 : memref<!tpu.dma_semaphore, #tpu.memory_space<semaphore_mem>>) src(%dma_wait3A_49 : memref<16x125xi32, #tpu.memory_space<hbm>>) dst(%arg7 : memref<16x125xi32, #tpu.memory_space<vmem>>)
      %dma_wait3A_50 = arith.constant 0 : i32
      %dma_wait3A_51 = tpu.memref_slice %arg4[%add3A_39, %dma_wait3A_50] : memref<2560x125xi32, #tpu.memory_space<hbm>> -> memref<16x125xi32, #tpu.memory_space<hbm>>
      %dma_wait3A_52 = arith.constant 0 : i32
      %dma_wait3A_53 = tpu.memref_slice %arg4[%add3A_39, %dma_wait3A_52] : memref<2560x125xi32, #tpu.memory_space<hbm>> -> memref<16x125xi32, #tpu.memory_space<hbm>>
      tpu.wait_dma2 semaphore(%arg13 : memref<!tpu.dma_semaphore, #tpu.memory_space<semaphore_mem>>) src(%dma_wait3A_53 : memref<16x125xi32, #tpu.memory_space<hbm>>) dst(%arg8 : memref<16x125xi32, #tpu.memory_space<vmem>>)
      %dma_start3A_54 = arith.constant 0 : i32
      %dma_start3A_55 = arith.constant 0 : i32
      %dma_start3A_56 = tpu.memref_slice %arg7[%dma_start3A_54, %dma_start3A_55] : memref<16x125xi32, #tpu.memory_space<vmem>> -> memref<1x125xi32, #tpu.memory_space<vmem>>
      %dma_start3A_57 = tpu.memref_squeeze %dma_start3A_56 : memref<1x125xi32, #tpu.memory_space<vmem>> -> memref<125xi32, #tpu.memory_space<vmem>>
      %dma_start3A_58 = arith.constant 0 : i32
      %dma_start3A_59 = arith.constant 0 : i32
      %dma_start3A_60 = tpu.memref_slice %arg2[%dma_start3A_58, %dma_start3A_59] : memref<10000x144xf32, #tpu.memory_space<hbm>> -> memref<10000x144xf32, #tpu.memory_space<hbm>>
      tpu.enqueue_indirect_dma source(%dma_start3A_60 : memref<10000x144xf32, #tpu.memory_space<hbm>>) target(%arg9 : memref<125x144xf32, #tpu.memory_space<vmem>>) offsets(%dma_start3A_57 : memref<125xi32, #tpu.memory_space<vmem>>) semaphore(%arg14 : memref<!tpu.dma_semaphore, #tpu.memory_space<semaphore_mem>>)
      %scan3A = arith.constant 0 : i32
      %scan3A_61 = arith.constant 0 : i32
      %scan3A_62 = arith.constant 8 : i32
      %scan3A_63 = arith.addi %scan3A_61, %scan3A_62 : i32
      %scan3A_64 = arith.constant 1 : i32
      scf.for %scan3A_73 = %scan3A_61 to %scan3A_63 step %scan3A_64  : i32 {
        %mul3A_74 = arith.constant 2 : i32
        %mul3A_75 = arith.muli %mul3A_74, %scan3A_73 : i32
        %ge3A = arith.constant 1 : i32
        %ge3A_76 = arith.cmpi sge, %scan3A_73, %ge3A : i32
        %convert_element_type3A_77 = arith.extui %ge3A_76 : i1 to i32
        %cond3A_78 = arith.constant 0 : i32
        %cond3A_79 = arith.cmpi ne, %convert_element_type3A_77, %cond3A_78 : i32
        scf.if %cond3A_79 {
          %dma_wait3A_130 = arith.constant 0 : i32
          %dma_wait3A_131 = arith.constant 0 : i32
          %dma_wait3A_132 = tpu.memref_slice %arg8[%dma_wait3A_130, %dma_wait3A_131] : memref<16x125xi32, #tpu.memory_space<vmem>> -> memref<1x125xi32, #tpu.memory_space<vmem>>
          %dma_wait3A_133 = tpu.memref_squeeze %dma_wait3A_132 : memref<1x125xi32, #tpu.memory_space<vmem>> -> memref<125xi32, #tpu.memory_space<vmem>>
          %dma_wait3A_134 = arith.constant 0 : i32
          %dma_wait3A_135 = arith.constant 0 : i32
          %dma_wait3A_136 = tpu.memref_slice %arg11[%dma_wait3A_134, %dma_wait3A_135] : memref<10000x144xf32, #tpu.memory_space<vmem_shared>> -> memref<10000x144xf32, #tpu.memory_space<vmem_shared>>
          tpu.wait_indirect_dma semaphore(%arg17 : memref<!tpu.dma_semaphore, #tpu.memory_space<semaphore_mem>>) src(%arg10 : memref<125x144xf32, #tpu.memory_space<vmem>>) dst(%dma_wait3A_136 : memref<10000x144xf32, #tpu.memory_space<vmem_shared>>)
        } else {
        }
        %add3A_80 = arith.constant 1 : i32
        %add3A_81 = arith.addi %mul3A_75, %add3A_80 : i32
        %dma_start3A_82 = arith.constant 0 : i32
        %dma_start3A_83 = tpu.memref_slice %arg7[%add3A_81, %dma_start3A_82] : memref<16x125xi32, #tpu.memory_space<vmem>> -> memref<1x125xi32, #tpu.memory_space<vmem>>
        %dma_start3A_84 = tpu.memref_squeeze %dma_start3A_83 : memref<1x125xi32, #tpu.memory_space<vmem>> -> memref<125xi32, #tpu.memory_space<vmem>>
        %dma_start3A_85 = arith.constant 0 : i32
        %dma_start3A_86 = arith.constant 0 : i32
        %dma_start3A_87 = tpu.memref_slice %arg2[%dma_start3A_85, %dma_start3A_86] : memref<10000x144xf32, #tpu.memory_space<hbm>> -> memref<10000x144xf32, #tpu.memory_space<hbm>>
        tpu.enqueue_indirect_dma source(%dma_start3A_87 : memref<10000x144xf32, #tpu.memory_space<hbm>>) target(%arg10 : memref<125x144xf32, #tpu.memory_space<vmem>>) offsets(%dma_start3A_84 : memref<125xi32, #tpu.memory_space<vmem>>) semaphore(%arg15 : memref<!tpu.dma_semaphore, #tpu.memory_space<semaphore_mem>>)
        %dma_wait3A_88 = arith.constant 0 : i32
        %dma_wait3A_89 = arith.constant 0 : i32
        %dma_wait3A_90 = tpu.memref_slice %arg7[%dma_wait3A_88, %dma_wait3A_89] : memref<16x125xi32, #tpu.memory_space<vmem>> -> memref<1x125xi32, #tpu.memory_space<vmem>>
        %dma_wait3A_91 = tpu.memref_squeeze %dma_wait3A_90 : memref<1x125xi32, #tpu.memory_space<vmem>> -> memref<125xi32, #tpu.memory_space<vmem>>
        %dma_wait3A_92 = arith.constant 0 : i32
        %dma_wait3A_93 = arith.constant 0 : i32
        %dma_wait3A_94 = tpu.memref_slice %arg2[%dma_wait3A_92, %dma_wait3A_93] : memref<10000x144xf32, #tpu.memory_space<hbm>> -> memref<10000x144xf32, #tpu.memory_space<hbm>>
        tpu.wait_indirect_dma semaphore(%arg14 : memref<!tpu.dma_semaphore, #tpu.memory_space<semaphore_mem>>) src(%dma_wait3A_94 : memref<10000x144xf32, #tpu.memory_space<hbm>>) dst(%arg9 : memref<125x144xf32, #tpu.memory_space<vmem>>)
        %dma_start3A_95 = arith.constant 0 : i32
        %dma_start3A_96 = tpu.memref_slice %arg8[%mul3A_75, %dma_start3A_95] : memref<16x125xi32, #tpu.memory_space<vmem>> -> memref<1x125xi32, #tpu.memory_space<vmem>>
        %dma_start3A_97 = tpu.memref_squeeze %dma_start3A_96 : memref<1x125xi32, #tpu.memory_space<vmem>> -> memref<125xi32, #tpu.memory_space<vmem>>
        %dma_start3A_98 = arith.constant 0 : i32
        %dma_start3A_99 = arith.constant 0 : i32
        %dma_start3A_100 = tpu.memref_slice %arg11[%dma_start3A_98, %dma_start3A_99] : memref<10000x144xf32, #tpu.memory_space<vmem_shared>> -> memref<10000x144xf32, #tpu.memory_space<vmem_shared>>
        tpu.enqueue_indirect_dma source(%arg9 : memref<125x144xf32, #tpu.memory_space<vmem>>) target(%dma_start3A_100 : memref<10000x144xf32, #tpu.memory_space<vmem_shared>>) offsets(%dma_start3A_97 : memref<125xi32, #tpu.memory_space<vmem>>) semaphore(%arg16 : memref<!tpu.dma_semaphore, #tpu.memory_space<semaphore_mem>>) {add = true}
        %dma_wait3A_101 = arith.constant 0 : i32
        %dma_wait3A_102 = arith.constant 0 : i32
        %dma_wait3A_103 = tpu.memref_slice %arg8[%dma_wait3A_101, %dma_wait3A_102] : memref<16x125xi32, #tpu.memory_space<vmem>> -> memref<1x125xi32, #tpu.memory_space<vmem>>
        %dma_wait3A_104 = tpu.memref_squeeze %dma_wait3A_103 : memref<1x125xi32, #tpu.memory_space<vmem>> -> memref<125xi32, #tpu.memory_space<vmem>>
        %dma_wait3A_105 = arith.constant 0 : i32
        %dma_wait3A_106 = arith.constant 0 : i32
        %dma_wait3A_107 = tpu.memref_slice %arg11[%dma_wait3A_105, %dma_wait3A_106] : memref<10000x144xf32, #tpu.memory_space<vmem_shared>> -> memref<10000x144xf32, #tpu.memory_space<vmem_shared>>
        tpu.wait_indirect_dma semaphore(%arg16 : memref<!tpu.dma_semaphore, #tpu.memory_space<semaphore_mem>>) src(%arg9 : memref<125x144xf32, #tpu.memory_space<vmem>>) dst(%dma_wait3A_107 : memref<10000x144xf32, #tpu.memory_space<vmem_shared>>)
        %add3A_108 = arith.constant 1 : i32
        %add3A_109 = arith.addi %scan3A_73, %add3A_108 : i32
        %lt3A_110 = arith.constant 8 : i32
        %lt3A_111 = arith.cmpi slt, %add3A_109, %lt3A_110 : i32
        %convert_element_type3A_112 = arith.extui %lt3A_111 : i1 to i32
        %cond3A_113 = arith.constant 0 : i32
        %cond3A_114 = arith.cmpi ne, %convert_element_type3A_112, %cond3A_113 : i32
        scf.if %cond3A_114 {
          %add3A_130 = arith.constant 2 : i32
          %add3A_131 = arith.addi %mul3A_75, %add3A_130 : i32
          %dma_start3A_132 = arith.constant 0 : i32
          %dma_start3A_133 = tpu.memref_slice %arg7[%add3A_131, %dma_start3A_132] : memref<16x125xi32, #tpu.memory_space<vmem>> -> memref<1x125xi32, #tpu.memory_space<vmem>>
          %dma_start3A_134 = tpu.memref_squeeze %dma_start3A_133 : memref<1x125xi32, #tpu.memory_space<vmem>> -> memref<125xi32, #tpu.memory_space<vmem>>
          %dma_start3A_135 = arith.constant 0 : i32
          %dma_start3A_136 = arith.constant 0 : i32
          %dma_start3A_137 = tpu.memref_slice %arg2[%dma_start3A_135, %dma_start3A_136] : memref<10000x144xf32, #tpu.memory_space<hbm>> -> memref<10000x144xf32, #tpu.memory_space<hbm>>
          tpu.enqueue_indirect_dma source(%dma_start3A_137 : memref<10000x144xf32, #tpu.memory_space<hbm>>) target(%arg9 : memref<125x144xf32, #tpu.memory_space<vmem>>) offsets(%dma_start3A_134 : memref<125xi32, #tpu.memory_space<vmem>>) semaphore(%arg14 : memref<!tpu.dma_semaphore, #tpu.memory_space<semaphore_mem>>)
        } else {
        }
        %dma_wait3A_115 = arith.constant 0 : i32
        %dma_wait3A_116 = arith.constant 0 : i32
        %dma_wait3A_117 = tpu.memref_slice %arg7[%dma_wait3A_115, %dma_wait3A_116] : memref<16x125xi32, #tpu.memory_space<vmem>> -> memref<1x125xi32, #tpu.memory_space<vmem>>
        %dma_wait3A_118 = tpu.memref_squeeze %dma_wait3A_117 : memref<1x125xi32, #tpu.memory_space<vmem>> -> memref<125xi32, #tpu.memory_space<vmem>>
        %dma_wait3A_119 = arith.constant 0 : i32
        %dma_wait3A_120 = arith.constant 0 : i32
        %dma_wait3A_121 = tpu.memref_slice %arg2[%dma_wait3A_119, %dma_wait3A_120] : memref<10000x144xf32, #tpu.memory_space<hbm>> -> memref<10000x144xf32, #tpu.memory_space<hbm>>
        tpu.wait_indirect_dma semaphore(%arg15 : memref<!tpu.dma_semaphore, #tpu.memory_space<semaphore_mem>>) src(%dma_wait3A_121 : memref<10000x144xf32, #tpu.memory_space<hbm>>) dst(%arg10 : memref<125x144xf32, #tpu.memory_space<vmem>>)
        %add3A_122 = arith.constant 1 : i32
        %add3A_123 = arith.addi %mul3A_75, %add3A_122 : i32
        %dma_start3A_124 = arith.constant 0 : i32
        %dma_start3A_125 = tpu.memref_slice %arg8[%add3A_123, %dma_start3A_124] : memref<16x125xi32, #tpu.memory_space<vmem>> -> memref<1x125xi32, #tpu.memory_space<vmem>>
        %dma_start3A_126 = tpu.memref_squeeze %dma_start3A_125 : memref<1x125xi32, #tpu.memory_space<vmem>> -> memref<125xi32, #tpu.memory_space<vmem>>
        %dma_start3A_127 = arith.constant 0 : i32
        %dma_start3A_128 = arith.constant 0 : i32
        %dma_start3A_129 = tpu.memref_slice %arg11[%dma_start3A_127, %dma_start3A_128] : memref<10000x144xf32, #tpu.memory_space<vmem_shared>> -> memref<10000x144xf32, #tpu.memory_space<vmem_shared>>
        tpu.enqueue_indirect_dma source(%arg10 : memref<125x144xf32, #tpu.memory_space<vmem>>) target(%dma_start3A_129 : memref<10000x144xf32, #tpu.memory_space<vmem_shared>>) offsets(%dma_start3A_126 : memref<125xi32, #tpu.memory_space<vmem>>) semaphore(%arg17 : memref<!tpu.dma_semaphore, #tpu.memory_space<semaphore_mem>>) {add = true}
      }
      %scan3A_65 = arith.constant 8 : i32
      %dma_wait3A_66 = arith.constant 0 : i32
      %dma_wait3A_67 = arith.constant 0 : i32
      %dma_wait3A_68 = tpu.memref_slice %arg8[%dma_wait3A_66, %dma_wait3A_67] : memref<16x125xi32, #tpu.memory_space<vmem>> -> memref<1x125xi32, #tpu.memory_space<vmem>>
      %dma_wait3A_69 = tpu.memref_squeeze %dma_wait3A_68 : memref<1x125xi32, #tpu.memory_space<vmem>> -> memref<125xi32, #tpu.memory_space<vmem>>
      %dma_wait3A_70 = arith.constant 0 : i32
      %dma_wait3A_71 = arith.constant 0 : i32
      %dma_wait3A_72 = tpu.memref_slice %arg11[%dma_wait3A_70, %dma_wait3A_71] : memref<10000x144xf32, #tpu.memory_space<vmem_shared>> -> memref<10000x144xf32, #tpu.memory_space<vmem_shared>>
      tpu.wait_indirect_dma semaphore(%arg17 : memref<!tpu.dma_semaphore, #tpu.memory_space<semaphore_mem>>) src(%arg10 : memref<125x144xf32, #tpu.memory_space<vmem>>) dst(%dma_wait3A_72 : memref<10000x144xf32, #tpu.memory_space<vmem_shared>>)
    }
    %barrier3A_25 = arith.constant 0 : index
    tpu.barrier barrier_id(%barrier3A_25)
    %lt3A_26 = arith.constant 15 : i32
    %lt3A_27 = arith.cmpi slt, %arg1, %lt3A_26 : i32
    %convert_element_type3A_28 = arith.extui %lt3A_27 : i1 to i32
    %cond3A_29 = arith.constant 0 : i32
    %cond3A_30 = arith.cmpi ne, %convert_element_type3A_28, %cond3A_29 : i32
    scf.if %cond3A_30 {
      %mul3A_36 = arith.constant 632 : i32
      %mul3A_37 = arith.muli %arg1, %mul3A_36 : i32
      %mul3A_38 = arith.constant 632 : i32
      %mul3A_39 = arith.muli %arg1, %mul3A_38 : i32
      "tpu.region"() ({
        %run_scoped3A = tpu.sem_alloc : memref<!tpu.dma_semaphore, #tpu.memory_space<semaphore_mem>>
        %dma_start3A = arith.constant 0 : i32
        %dma_start3A_40 = tpu.memref_slice %arg6[%arg0, %mul3A_39, %dma_start3A] : memref<2x10000x144xf32, #tpu.memory_space<hbm>> -> memref<1x632x144xf32, #tpu.memory_space<hbm>>
        %dma_start3A_41 = tpu.memref_squeeze %dma_start3A_40 : memref<1x632x144xf32, #tpu.memory_space<hbm>> -> memref<632x144xf32, #tpu.memory_space<hbm>>
        %dma_start3A_42 = arith.constant 0 : i32
        %dma_start3A_43 = tpu.memref_slice %arg11[%mul3A_37, %dma_start3A_42] : memref<10000x144xf32, #tpu.memory_space<vmem_shared>> -> memref<632x144xf32, #tpu.memory_space<vmem_shared>>
        tpu.enqueue_dma source(%dma_start3A_43 : memref<632x144xf32, #tpu.memory_space<vmem_shared>>) target(%dma_start3A_41 : memref<632x144xf32, #tpu.memory_space<hbm>>) target_semaphore(%run_scoped3A : memref<!tpu.dma_semaphore, #tpu.memory_space<semaphore_mem>>)
        %dma_wait3A = arith.constant 0 : i32
        %dma_wait3A_44 = tpu.memref_slice %arg6[%arg0, %mul3A_39, %dma_wait3A] : memref<2x10000x144xf32, #tpu.memory_space<hbm>> -> memref<1x632x144xf32, #tpu.memory_space<hbm>>
        %dma_wait3A_45 = tpu.memref_squeeze %dma_wait3A_44 : memref<1x632x144xf32, #tpu.memory_space<hbm>> -> memref<632x144xf32, #tpu.memory_space<hbm>>
        %dma_wait3A_46 = arith.constant 0 : i32
        %dma_wait3A_47 = tpu.memref_slice %arg11[%mul3A_37, %dma_wait3A_46] : memref<10000x144xf32, #tpu.memory_space<vmem_shared>> -> memref<632x144xf32, #tpu.memory_space<vmem_shared>>
        tpu.wait_dma2 semaphore(%run_scoped3A : memref<!tpu.dma_semaphore, #tpu.memory_space<semaphore_mem>>) src(%dma_wait3A_47 : memref<632x144xf32, #tpu.memory_space<vmem_shared>>) dst(%dma_wait3A_45 : memref<632x144xf32, #tpu.memory_space<hbm>>)
        tpu.yield
      }) : () -> ()
    } else {
    }
    %eq3A_31 = arith.constant 15 : i32
    %eq3A_32 = arith.cmpi eq, %arg1, %eq3A_31 : i32
    %convert_element_type3A_33 = arith.extui %eq3A_32 : i1 to i32
    %cond3A_34 = arith.constant 0 : i32
    %cond3A_35 = arith.cmpi ne, %convert_element_type3A_33, %cond3A_34 : i32
    scf.if %cond3A_35 {
      "tpu.region"() ({
        %run_scoped3A = tpu.sem_alloc : memref<!tpu.dma_semaphore, #tpu.memory_space<semaphore_mem>>
        %dma_start3A = arith.constant 9480 : i32
        %dma_start3A_36 = arith.constant 0 : i32
        %dma_start3A_37 = tpu.memref_slice %arg6[%arg0, %dma_start3A, %dma_start3A_36] : memref<2x10000x144xf32, #tpu.memory_space<hbm>> -> memref<1x520x144xf32, #tpu.memory_space<hbm>>
        %dma_start3A_38 = tpu.memref_squeeze %dma_start3A_37 : memref<1x520x144xf32, #tpu.memory_space<hbm>> -> memref<520x144xf32, #tpu.memory_space<hbm>>
        %dma_start3A_39 = arith.constant 9480 : i32
        %dma_start3A_40 = arith.constant 0 : i32
        %dma_start3A_41 = tpu.memref_slice %arg11[%dma_start3A_39, %dma_start3A_40] : memref<10000x144xf32, #tpu.memory_space<vmem_shared>> -> memref<520x144xf32, #tpu.memory_space<vmem_shared>>
        tpu.enqueue_dma source(%dma_start3A_41 : memref<520x144xf32, #tpu.memory_space<vmem_shared>>) target(%dma_start3A_38 : memref<520x144xf32, #tpu.memory_space<hbm>>) target_semaphore(%run_scoped3A : memref<!tpu.dma_semaphore, #tpu.memory_space<semaphore_mem>>)
        %dma_wait3A = arith.constant 9480 : i32
        %dma_wait3A_42 = arith.constant 0 : i32
        %dma_wait3A_43 = tpu.memref_slice %arg6[%arg0, %dma_wait3A, %dma_wait3A_42] : memref<2x10000x144xf32, #tpu.memory_space<hbm>> -> memref<1x520x144xf32, #tpu.memory_space<hbm>>
        %dma_wait3A_44 = tpu.memref_squeeze %dma_wait3A_43 : memref<1x520x144xf32, #tpu.memory_space<hbm>> -> memref<520x144xf32, #tpu.memory_space<hbm>>
        %dma_wait3A_45 = arith.constant 9480 : i32
        %dma_wait3A_46 = arith.constant 0 : i32
        %dma_wait3A_47 = tpu.memref_slice %arg11[%dma_wait3A_45, %dma_wait3A_46] : memref<10000x144xf32, #tpu.memory_space<vmem_shared>> -> memref<520x144xf32, #tpu.memory_space<vmem_shared>>
        tpu.wait_dma2 semaphore(%run_scoped3A : memref<!tpu.dma_semaphore, #tpu.memory_space<semaphore_mem>>) src(%dma_wait3A_47 : memref<520x144xf32, #tpu.memory_space<vmem_shared>>) dst(%dma_wait3A_44 : memref<520x144xf32, #tpu.memory_space<hbm>>)
        tpu.yield
      }) : () -> ()
    } else {
    }
    return
  }
}

#map = affine_map<(d0, d1) -> (0, 0)>
#map1 = affine_map<(d0, d1) -> (0, 0, 0)>
module attributes {stable_mosaic.version = 14 : i64} {
  func.func @agg(%arg0: i32, %arg1: i32, %arg2: memref<10000x64xf32, #tpu.memory_space<hbm>>, %arg3: memref<2560x125xi32, #tpu.memory_space<hbm>>, %arg4: memref<2560x125xi32, #tpu.memory_space<hbm>>, %arg5: memref<632x64xf32, #tpu.memory_space<hbm>>, %arg6: memref<2x10000x64xf32, #tpu.memory_space<hbm>>, %arg7: memref<80x125xi32, #tpu.memory_space<vmem>>, %arg8: memref<80x125xi32, #tpu.memory_space<vmem>>, %arg9: memref<125x64xf32, #tpu.memory_space<vmem>>, %arg10: memref<125x64xf32, #tpu.memory_space<vmem>>, %arg11: memref<10000x64xf32, #tpu.memory_space<vmem_shared>>, %arg12: memref<!tpu.dma_semaphore, #tpu.memory_space<semaphore_mem>>, %arg13: memref<!tpu.dma_semaphore, #tpu.memory_space<semaphore_mem>>, %arg14: memref<!tpu.dma_semaphore, #tpu.memory_space<semaphore_mem>>, %arg15: memref<!tpu.dma_semaphore, #tpu.memory_space<semaphore_mem>>, %arg16: memref<!tpu.dma_semaphore, #tpu.memory_space<semaphore_mem>>, %arg17: memref<!tpu.dma_semaphore, #tpu.memory_space<semaphore_mem>>) attributes {dimension_semantics = [#tpu.dimension_semantics<core_parallel>, #tpu.dimension_semantics<subcore_parallel>], iteration_bounds = array<i64: 2, 16>, scalar_prefetch = 0 : i64, scratch_operands = 11 : i64, tpu.core_type = #tpu.core_type<sc_vector_subcore>, window_params = [{transform_indices = #map}, {transform_indices = #map}, {transform_indices = #map}, {transform_indices = #map}, {transform_indices = #map1}]} {
    %eq3A = arith.constant 0 : i32
    %eq3A_0 = arith.cmpi eq, %arg0, %eq3A : i32
    %mul3A = arith.constant 80 : i32
    %mul3A_1 = arith.muli %arg1, %mul3A : i32
    %mul3A_2 = arith.constant 80 : i32
    %mul3A_3 = arith.muli %arg1, %mul3A_2 : i32
    %add3A = arith.constant 1280 : i32
    %add3A_4 = arith.addi %add3A, %mul3A_3 : i32
    %select_n3A = arith.select %eq3A_0, %mul3A_1, %add3A_4 : i32
    %eq3A_5 = arith.constant 0 : i32
    %eq3A_6 = arith.cmpi eq, %arg0, %eq3A_5 : i32
    %jit3A = arith.constant 1 : i32
    %jit3A_7 = arith.constant 1 : i32
    %select_n3A_8 = arith.select %eq3A_6, %jit3A, %jit3A_7 : i32
    %lt3A = arith.constant 15 : i32
    %lt3A_9 = arith.cmpi slt, %arg1, %lt3A : i32
    %convert_element_type3A = arith.extui %lt3A_9 : i1 to i32
    %cond3A = arith.constant 0 : i32
    %cond3A_10 = arith.cmpi ne, %convert_element_type3A, %cond3A : i32
    scf.if %cond3A_10 {
      %mul3A_36 = arith.constant 632 : i32
      %mul3A_37 = arith.muli %arg1, %mul3A_36 : i32
      "tpu.region"() ({
        %run_scoped3A = tpu.sem_alloc : memref<!tpu.dma_semaphore, #tpu.memory_space<semaphore_mem>>
        %dma_start3A = arith.constant 0 : i32
        %dma_start3A_38 = tpu.memref_slice %arg11[%mul3A_37, %dma_start3A] : memref<10000x64xf32, #tpu.memory_space<vmem_shared>> -> memref<632x64xf32, #tpu.memory_space<vmem_shared>>
        tpu.enqueue_dma source(%arg5 : memref<632x64xf32, #tpu.memory_space<hbm>>) target(%dma_start3A_38 : memref<632x64xf32, #tpu.memory_space<vmem_shared>>) target_semaphore(%run_scoped3A : memref<!tpu.dma_semaphore, #tpu.memory_space<semaphore_mem>>)
        %dma_wait3A = arith.constant 0 : i32
        %dma_wait3A_39 = tpu.memref_slice %arg11[%mul3A_37, %dma_wait3A] : memref<10000x64xf32, #tpu.memory_space<vmem_shared>> -> memref<632x64xf32, #tpu.memory_space<vmem_shared>>
        tpu.wait_dma2 semaphore(%run_scoped3A : memref<!tpu.dma_semaphore, #tpu.memory_space<semaphore_mem>>) src(%arg5 : memref<632x64xf32, #tpu.memory_space<hbm>>) dst(%dma_wait3A_39 : memref<632x64xf32, #tpu.memory_space<vmem_shared>>)
        tpu.yield
      }) : () -> ()
    } else {
    }
    %eq3A_11 = arith.constant 15 : i32
    %eq3A_12 = arith.cmpi eq, %arg1, %eq3A_11 : i32
    %convert_element_type3A_13 = arith.extui %eq3A_12 : i1 to i32
    %cond3A_14 = arith.constant 0 : i32
    %cond3A_15 = arith.cmpi ne, %convert_element_type3A_13, %cond3A_14 : i32
    scf.if %cond3A_15 {
      "tpu.region"() ({
        %run_scoped3A = tpu.sem_alloc : memref<!tpu.dma_semaphore, #tpu.memory_space<semaphore_mem>>
        %dma_start3A = arith.constant 9480 : i32
        %dma_start3A_36 = arith.constant 0 : i32
        %dma_start3A_37 = tpu.memref_slice %arg11[%dma_start3A, %dma_start3A_36] : memref<10000x64xf32, #tpu.memory_space<vmem_shared>> -> memref<520x64xf32, #tpu.memory_space<vmem_shared>>
        %dma_start3A_38 = arith.constant 0 : i32
        %dma_start3A_39 = arith.constant 0 : i32
        %dma_start3A_40 = tpu.memref_slice %arg5[%dma_start3A_38, %dma_start3A_39] : memref<632x64xf32, #tpu.memory_space<hbm>> -> memref<520x64xf32, #tpu.memory_space<hbm>>
        tpu.enqueue_dma source(%dma_start3A_40 : memref<520x64xf32, #tpu.memory_space<hbm>>) target(%dma_start3A_37 : memref<520x64xf32, #tpu.memory_space<vmem_shared>>) target_semaphore(%run_scoped3A : memref<!tpu.dma_semaphore, #tpu.memory_space<semaphore_mem>>)
        %dma_wait3A = arith.constant 9480 : i32
        %dma_wait3A_41 = arith.constant 0 : i32
        %dma_wait3A_42 = tpu.memref_slice %arg11[%dma_wait3A, %dma_wait3A_41] : memref<10000x64xf32, #tpu.memory_space<vmem_shared>> -> memref<520x64xf32, #tpu.memory_space<vmem_shared>>
        %dma_wait3A_43 = arith.constant 0 : i32
        %dma_wait3A_44 = arith.constant 0 : i32
        %dma_wait3A_45 = tpu.memref_slice %arg5[%dma_wait3A_43, %dma_wait3A_44] : memref<632x64xf32, #tpu.memory_space<hbm>> -> memref<520x64xf32, #tpu.memory_space<hbm>>
        tpu.wait_dma2 semaphore(%run_scoped3A : memref<!tpu.dma_semaphore, #tpu.memory_space<semaphore_mem>>) src(%dma_wait3A_45 : memref<520x64xf32, #tpu.memory_space<hbm>>) dst(%dma_wait3A_42 : memref<520x64xf32, #tpu.memory_space<vmem_shared>>)
        tpu.yield
      }) : () -> ()
    } else {
    }
    %barrier3A = arith.constant 0 : index
    tpu.barrier barrier_id(%barrier3A)
    %while3A = arith.constant 0 : i32
    %while3A_16 = arith.constant 0 : i32
    %while3A_17 = arith.subi %select_n3A_8, %while3A_16 : i32
    %while3A_18 = arith.addi %while3A_16, %while3A_17 : i32
    %while3A_19 = arith.constant 1 : i32
    %while3A_20 = arith.divsi %while3A_17, %while3A_19 : i32
    %while3A_21 = arith.muli %while3A_20, %while3A_19 : i32
    %while3A_22 = arith.addi %while3A_16, %while3A_21 : i32
    %while3A_23 = arith.constant 1 : i32
    scf.for %while3A_36 = %while3A_16 to %while3A_22 step %while3A_23  : i32 {
      %mul3A_37 = arith.constant 80 : i32
      %mul3A_38 = arith.muli %while3A_36, %mul3A_37 : i32
      %add3A_39 = arith.addi %select_n3A, %mul3A_38 : i32
      %dma_start3A = arith.constant 0 : i32
      %dma_start3A_40 = tpu.memref_slice %arg3[%add3A_39, %dma_start3A] : memref<2560x125xi32, #tpu.memory_space<hbm>> -> memref<80x125xi32, #tpu.memory_space<hbm>>
      %dma_start3A_41 = arith.constant 0 : i32
      %dma_start3A_42 = tpu.memref_slice %arg3[%add3A_39, %dma_start3A_41] : memref<2560x125xi32, #tpu.memory_space<hbm>> -> memref<80x125xi32, #tpu.memory_space<hbm>>
      tpu.enqueue_dma source(%dma_start3A_42 : memref<80x125xi32, #tpu.memory_space<hbm>>) target(%arg7 : memref<80x125xi32, #tpu.memory_space<vmem>>) target_semaphore(%arg12 : memref<!tpu.dma_semaphore, #tpu.memory_space<semaphore_mem>>)
      %dma_start3A_43 = arith.constant 0 : i32
      %dma_start3A_44 = tpu.memref_slice %arg4[%add3A_39, %dma_start3A_43] : memref<2560x125xi32, #tpu.memory_space<hbm>> -> memref<80x125xi32, #tpu.memory_space<hbm>>
      %dma_start3A_45 = arith.constant 0 : i32
      %dma_start3A_46 = tpu.memref_slice %arg4[%add3A_39, %dma_start3A_45] : memref<2560x125xi32, #tpu.memory_space<hbm>> -> memref<80x125xi32, #tpu.memory_space<hbm>>
      tpu.enqueue_dma source(%dma_start3A_46 : memref<80x125xi32, #tpu.memory_space<hbm>>) target(%arg8 : memref<80x125xi32, #tpu.memory_space<vmem>>) target_semaphore(%arg13 : memref<!tpu.dma_semaphore, #tpu.memory_space<semaphore_mem>>)
      %dma_wait3A = arith.constant 0 : i32
      %dma_wait3A_47 = tpu.memref_slice %arg3[%add3A_39, %dma_wait3A] : memref<2560x125xi32, #tpu.memory_space<hbm>> -> memref<80x125xi32, #tpu.memory_space<hbm>>
      %dma_wait3A_48 = arith.constant 0 : i32
      %dma_wait3A_49 = tpu.memref_slice %arg3[%add3A_39, %dma_wait3A_48] : memref<2560x125xi32, #tpu.memory_space<hbm>> -> memref<80x125xi32, #tpu.memory_space<hbm>>
      tpu.wait_dma2 semaphore(%arg12 : memref<!tpu.dma_semaphore, #tpu.memory_space<semaphore_mem>>) src(%dma_wait3A_49 : memref<80x125xi32, #tpu.memory_space<hbm>>) dst(%arg7 : memref<80x125xi32, #tpu.memory_space<vmem>>)
      %dma_wait3A_50 = arith.constant 0 : i32
      %dma_wait3A_51 = tpu.memref_slice %arg4[%add3A_39, %dma_wait3A_50] : memref<2560x125xi32, #tpu.memory_space<hbm>> -> memref<80x125xi32, #tpu.memory_space<hbm>>
      %dma_wait3A_52 = arith.constant 0 : i32
      %dma_wait3A_53 = tpu.memref_slice %arg4[%add3A_39, %dma_wait3A_52] : memref<2560x125xi32, #tpu.memory_space<hbm>> -> memref<80x125xi32, #tpu.memory_space<hbm>>
      tpu.wait_dma2 semaphore(%arg13 : memref<!tpu.dma_semaphore, #tpu.memory_space<semaphore_mem>>) src(%dma_wait3A_53 : memref<80x125xi32, #tpu.memory_space<hbm>>) dst(%arg8 : memref<80x125xi32, #tpu.memory_space<vmem>>)
      %dma_start3A_54 = arith.constant 0 : i32
      %dma_start3A_55 = arith.constant 0 : i32
      %dma_start3A_56 = tpu.memref_slice %arg7[%dma_start3A_54, %dma_start3A_55] : memref<80x125xi32, #tpu.memory_space<vmem>> -> memref<1x125xi32, #tpu.memory_space<vmem>>
      %dma_start3A_57 = tpu.memref_squeeze %dma_start3A_56 : memref<1x125xi32, #tpu.memory_space<vmem>> -> memref<125xi32, #tpu.memory_space<vmem>>
      %dma_start3A_58 = arith.constant 0 : i32
      %dma_start3A_59 = arith.constant 0 : i32
      %dma_start3A_60 = tpu.memref_slice %arg2[%dma_start3A_58, %dma_start3A_59] : memref<10000x64xf32, #tpu.memory_space<hbm>> -> memref<10000x64xf32, #tpu.memory_space<hbm>>
      tpu.enqueue_indirect_dma source(%dma_start3A_60 : memref<10000x64xf32, #tpu.memory_space<hbm>>) target(%arg9 : memref<125x64xf32, #tpu.memory_space<vmem>>) offsets(%dma_start3A_57 : memref<125xi32, #tpu.memory_space<vmem>>) semaphore(%arg14 : memref<!tpu.dma_semaphore, #tpu.memory_space<semaphore_mem>>)
      %scan3A = arith.constant 0 : i32
      %scan3A_61 = arith.constant 0 : i32
      %scan3A_62 = arith.constant 40 : i32
      %scan3A_63 = arith.addi %scan3A_61, %scan3A_62 : i32
      %scan3A_64 = arith.constant 1 : i32
      scf.for %scan3A_73 = %scan3A_61 to %scan3A_63 step %scan3A_64  : i32 {
        %mul3A_74 = arith.constant 2 : i32
        %mul3A_75 = arith.muli %mul3A_74, %scan3A_73 : i32
        %ge3A = arith.constant 1 : i32
        %ge3A_76 = arith.cmpi sge, %scan3A_73, %ge3A : i32
        %convert_element_type3A_77 = arith.extui %ge3A_76 : i1 to i32
        %cond3A_78 = arith.constant 0 : i32
        %cond3A_79 = arith.cmpi ne, %convert_element_type3A_77, %cond3A_78 : i32
        scf.if %cond3A_79 {
          %dma_wait3A_130 = arith.constant 0 : i32
          %dma_wait3A_131 = arith.constant 0 : i32
          %dma_wait3A_132 = tpu.memref_slice %arg8[%dma_wait3A_130, %dma_wait3A_131] : memref<80x125xi32, #tpu.memory_space<vmem>> -> memref<1x125xi32, #tpu.memory_space<vmem>>
          %dma_wait3A_133 = tpu.memref_squeeze %dma_wait3A_132 : memref<1x125xi32, #tpu.memory_space<vmem>> -> memref<125xi32, #tpu.memory_space<vmem>>
          %dma_wait3A_134 = arith.constant 0 : i32
          %dma_wait3A_135 = arith.constant 0 : i32
          %dma_wait3A_136 = tpu.memref_slice %arg11[%dma_wait3A_134, %dma_wait3A_135] : memref<10000x64xf32, #tpu.memory_space<vmem_shared>> -> memref<10000x64xf32, #tpu.memory_space<vmem_shared>>
          tpu.wait_indirect_dma semaphore(%arg17 : memref<!tpu.dma_semaphore, #tpu.memory_space<semaphore_mem>>) src(%arg10 : memref<125x64xf32, #tpu.memory_space<vmem>>) dst(%dma_wait3A_136 : memref<10000x64xf32, #tpu.memory_space<vmem_shared>>)
        } else {
        }
        %add3A_80 = arith.constant 1 : i32
        %add3A_81 = arith.addi %mul3A_75, %add3A_80 : i32
        %dma_start3A_82 = arith.constant 0 : i32
        %dma_start3A_83 = tpu.memref_slice %arg7[%add3A_81, %dma_start3A_82] : memref<80x125xi32, #tpu.memory_space<vmem>> -> memref<1x125xi32, #tpu.memory_space<vmem>>
        %dma_start3A_84 = tpu.memref_squeeze %dma_start3A_83 : memref<1x125xi32, #tpu.memory_space<vmem>> -> memref<125xi32, #tpu.memory_space<vmem>>
        %dma_start3A_85 = arith.constant 0 : i32
        %dma_start3A_86 = arith.constant 0 : i32
        %dma_start3A_87 = tpu.memref_slice %arg2[%dma_start3A_85, %dma_start3A_86] : memref<10000x64xf32, #tpu.memory_space<hbm>> -> memref<10000x64xf32, #tpu.memory_space<hbm>>
        tpu.enqueue_indirect_dma source(%dma_start3A_87 : memref<10000x64xf32, #tpu.memory_space<hbm>>) target(%arg10 : memref<125x64xf32, #tpu.memory_space<vmem>>) offsets(%dma_start3A_84 : memref<125xi32, #tpu.memory_space<vmem>>) semaphore(%arg15 : memref<!tpu.dma_semaphore, #tpu.memory_space<semaphore_mem>>)
        %dma_wait3A_88 = arith.constant 0 : i32
        %dma_wait3A_89 = arith.constant 0 : i32
        %dma_wait3A_90 = tpu.memref_slice %arg7[%dma_wait3A_88, %dma_wait3A_89] : memref<80x125xi32, #tpu.memory_space<vmem>> -> memref<1x125xi32, #tpu.memory_space<vmem>>
        %dma_wait3A_91 = tpu.memref_squeeze %dma_wait3A_90 : memref<1x125xi32, #tpu.memory_space<vmem>> -> memref<125xi32, #tpu.memory_space<vmem>>
        %dma_wait3A_92 = arith.constant 0 : i32
        %dma_wait3A_93 = arith.constant 0 : i32
        %dma_wait3A_94 = tpu.memref_slice %arg2[%dma_wait3A_92, %dma_wait3A_93] : memref<10000x64xf32, #tpu.memory_space<hbm>> -> memref<10000x64xf32, #tpu.memory_space<hbm>>
        tpu.wait_indirect_dma semaphore(%arg14 : memref<!tpu.dma_semaphore, #tpu.memory_space<semaphore_mem>>) src(%dma_wait3A_94 : memref<10000x64xf32, #tpu.memory_space<hbm>>) dst(%arg9 : memref<125x64xf32, #tpu.memory_space<vmem>>)
        %dma_start3A_95 = arith.constant 0 : i32
        %dma_start3A_96 = tpu.memref_slice %arg8[%mul3A_75, %dma_start3A_95] : memref<80x125xi32, #tpu.memory_space<vmem>> -> memref<1x125xi32, #tpu.memory_space<vmem>>
        %dma_start3A_97 = tpu.memref_squeeze %dma_start3A_96 : memref<1x125xi32, #tpu.memory_space<vmem>> -> memref<125xi32, #tpu.memory_space<vmem>>
        %dma_start3A_98 = arith.constant 0 : i32
        %dma_start3A_99 = arith.constant 0 : i32
        %dma_start3A_100 = tpu.memref_slice %arg11[%dma_start3A_98, %dma_start3A_99] : memref<10000x64xf32, #tpu.memory_space<vmem_shared>> -> memref<10000x64xf32, #tpu.memory_space<vmem_shared>>
        tpu.enqueue_indirect_dma source(%arg9 : memref<125x64xf32, #tpu.memory_space<vmem>>) target(%dma_start3A_100 : memref<10000x64xf32, #tpu.memory_space<vmem_shared>>) offsets(%dma_start3A_97 : memref<125xi32, #tpu.memory_space<vmem>>) semaphore(%arg16 : memref<!tpu.dma_semaphore, #tpu.memory_space<semaphore_mem>>) {add = true}
        %dma_wait3A_101 = arith.constant 0 : i32
        %dma_wait3A_102 = arith.constant 0 : i32
        %dma_wait3A_103 = tpu.memref_slice %arg8[%dma_wait3A_101, %dma_wait3A_102] : memref<80x125xi32, #tpu.memory_space<vmem>> -> memref<1x125xi32, #tpu.memory_space<vmem>>
        %dma_wait3A_104 = tpu.memref_squeeze %dma_wait3A_103 : memref<1x125xi32, #tpu.memory_space<vmem>> -> memref<125xi32, #tpu.memory_space<vmem>>
        %dma_wait3A_105 = arith.constant 0 : i32
        %dma_wait3A_106 = arith.constant 0 : i32
        %dma_wait3A_107 = tpu.memref_slice %arg11[%dma_wait3A_105, %dma_wait3A_106] : memref<10000x64xf32, #tpu.memory_space<vmem_shared>> -> memref<10000x64xf32, #tpu.memory_space<vmem_shared>>
        tpu.wait_indirect_dma semaphore(%arg16 : memref<!tpu.dma_semaphore, #tpu.memory_space<semaphore_mem>>) src(%arg9 : memref<125x64xf32, #tpu.memory_space<vmem>>) dst(%dma_wait3A_107 : memref<10000x64xf32, #tpu.memory_space<vmem_shared>>)
        %add3A_108 = arith.constant 1 : i32
        %add3A_109 = arith.addi %scan3A_73, %add3A_108 : i32
        %lt3A_110 = arith.constant 40 : i32
        %lt3A_111 = arith.cmpi slt, %add3A_109, %lt3A_110 : i32
        %convert_element_type3A_112 = arith.extui %lt3A_111 : i1 to i32
        %cond3A_113 = arith.constant 0 : i32
        %cond3A_114 = arith.cmpi ne, %convert_element_type3A_112, %cond3A_113 : i32
        scf.if %cond3A_114 {
          %add3A_130 = arith.constant 2 : i32
          %add3A_131 = arith.addi %mul3A_75, %add3A_130 : i32
          %dma_start3A_132 = arith.constant 0 : i32
          %dma_start3A_133 = tpu.memref_slice %arg7[%add3A_131, %dma_start3A_132] : memref<80x125xi32, #tpu.memory_space<vmem>> -> memref<1x125xi32, #tpu.memory_space<vmem>>
          %dma_start3A_134 = tpu.memref_squeeze %dma_start3A_133 : memref<1x125xi32, #tpu.memory_space<vmem>> -> memref<125xi32, #tpu.memory_space<vmem>>
          %dma_start3A_135 = arith.constant 0 : i32
          %dma_start3A_136 = arith.constant 0 : i32
          %dma_start3A_137 = tpu.memref_slice %arg2[%dma_start3A_135, %dma_start3A_136] : memref<10000x64xf32, #tpu.memory_space<hbm>> -> memref<10000x64xf32, #tpu.memory_space<hbm>>
          tpu.enqueue_indirect_dma source(%dma_start3A_137 : memref<10000x64xf32, #tpu.memory_space<hbm>>) target(%arg9 : memref<125x64xf32, #tpu.memory_space<vmem>>) offsets(%dma_start3A_134 : memref<125xi32, #tpu.memory_space<vmem>>) semaphore(%arg14 : memref<!tpu.dma_semaphore, #tpu.memory_space<semaphore_mem>>)
        } else {
        }
        %dma_wait3A_115 = arith.constant 0 : i32
        %dma_wait3A_116 = arith.constant 0 : i32
        %dma_wait3A_117 = tpu.memref_slice %arg7[%dma_wait3A_115, %dma_wait3A_116] : memref<80x125xi32, #tpu.memory_space<vmem>> -> memref<1x125xi32, #tpu.memory_space<vmem>>
        %dma_wait3A_118 = tpu.memref_squeeze %dma_wait3A_117 : memref<1x125xi32, #tpu.memory_space<vmem>> -> memref<125xi32, #tpu.memory_space<vmem>>
        %dma_wait3A_119 = arith.constant 0 : i32
        %dma_wait3A_120 = arith.constant 0 : i32
        %dma_wait3A_121 = tpu.memref_slice %arg2[%dma_wait3A_119, %dma_wait3A_120] : memref<10000x64xf32, #tpu.memory_space<hbm>> -> memref<10000x64xf32, #tpu.memory_space<hbm>>
        tpu.wait_indirect_dma semaphore(%arg15 : memref<!tpu.dma_semaphore, #tpu.memory_space<semaphore_mem>>) src(%dma_wait3A_121 : memref<10000x64xf32, #tpu.memory_space<hbm>>) dst(%arg10 : memref<125x64xf32, #tpu.memory_space<vmem>>)
        %add3A_122 = arith.constant 1 : i32
        %add3A_123 = arith.addi %mul3A_75, %add3A_122 : i32
        %dma_start3A_124 = arith.constant 0 : i32
        %dma_start3A_125 = tpu.memref_slice %arg8[%add3A_123, %dma_start3A_124] : memref<80x125xi32, #tpu.memory_space<vmem>> -> memref<1x125xi32, #tpu.memory_space<vmem>>
        %dma_start3A_126 = tpu.memref_squeeze %dma_start3A_125 : memref<1x125xi32, #tpu.memory_space<vmem>> -> memref<125xi32, #tpu.memory_space<vmem>>
        %dma_start3A_127 = arith.constant 0 : i32
        %dma_start3A_128 = arith.constant 0 : i32
        %dma_start3A_129 = tpu.memref_slice %arg11[%dma_start3A_127, %dma_start3A_128] : memref<10000x64xf32, #tpu.memory_space<vmem_shared>> -> memref<10000x64xf32, #tpu.memory_space<vmem_shared>>
        tpu.enqueue_indirect_dma source(%arg10 : memref<125x64xf32, #tpu.memory_space<vmem>>) target(%dma_start3A_129 : memref<10000x64xf32, #tpu.memory_space<vmem_shared>>) offsets(%dma_start3A_126 : memref<125xi32, #tpu.memory_space<vmem>>) semaphore(%arg17 : memref<!tpu.dma_semaphore, #tpu.memory_space<semaphore_mem>>) {add = true}
      }
      %scan3A_65 = arith.constant 40 : i32
      %dma_wait3A_66 = arith.constant 0 : i32
      %dma_wait3A_67 = arith.constant 0 : i32
      %dma_wait3A_68 = tpu.memref_slice %arg8[%dma_wait3A_66, %dma_wait3A_67] : memref<80x125xi32, #tpu.memory_space<vmem>> -> memref<1x125xi32, #tpu.memory_space<vmem>>
      %dma_wait3A_69 = tpu.memref_squeeze %dma_wait3A_68 : memref<1x125xi32, #tpu.memory_space<vmem>> -> memref<125xi32, #tpu.memory_space<vmem>>
      %dma_wait3A_70 = arith.constant 0 : i32
      %dma_wait3A_71 = arith.constant 0 : i32
      %dma_wait3A_72 = tpu.memref_slice %arg11[%dma_wait3A_70, %dma_wait3A_71] : memref<10000x64xf32, #tpu.memory_space<vmem_shared>> -> memref<10000x64xf32, #tpu.memory_space<vmem_shared>>
      tpu.wait_indirect_dma semaphore(%arg17 : memref<!tpu.dma_semaphore, #tpu.memory_space<semaphore_mem>>) src(%arg10 : memref<125x64xf32, #tpu.memory_space<vmem>>) dst(%dma_wait3A_72 : memref<10000x64xf32, #tpu.memory_space<vmem_shared>>)
    }
    %while3A_24 = arith.constant 1 : i32
    scf.for %while3A_36 = %while3A_22 to %while3A_18 step %while3A_24  : i32 {
      %mul3A_37 = arith.constant 80 : i32
      %mul3A_38 = arith.muli %while3A_36, %mul3A_37 : i32
      %add3A_39 = arith.addi %select_n3A, %mul3A_38 : i32
      %dma_start3A = arith.constant 0 : i32
      %dma_start3A_40 = tpu.memref_slice %arg3[%add3A_39, %dma_start3A] : memref<2560x125xi32, #tpu.memory_space<hbm>> -> memref<80x125xi32, #tpu.memory_space<hbm>>
      %dma_start3A_41 = arith.constant 0 : i32
      %dma_start3A_42 = tpu.memref_slice %arg3[%add3A_39, %dma_start3A_41] : memref<2560x125xi32, #tpu.memory_space<hbm>> -> memref<80x125xi32, #tpu.memory_space<hbm>>
      tpu.enqueue_dma source(%dma_start3A_42 : memref<80x125xi32, #tpu.memory_space<hbm>>) target(%arg7 : memref<80x125xi32, #tpu.memory_space<vmem>>) target_semaphore(%arg12 : memref<!tpu.dma_semaphore, #tpu.memory_space<semaphore_mem>>)
      %dma_start3A_43 = arith.constant 0 : i32
      %dma_start3A_44 = tpu.memref_slice %arg4[%add3A_39, %dma_start3A_43] : memref<2560x125xi32, #tpu.memory_space<hbm>> -> memref<80x125xi32, #tpu.memory_space<hbm>>
      %dma_start3A_45 = arith.constant 0 : i32
      %dma_start3A_46 = tpu.memref_slice %arg4[%add3A_39, %dma_start3A_45] : memref<2560x125xi32, #tpu.memory_space<hbm>> -> memref<80x125xi32, #tpu.memory_space<hbm>>
      tpu.enqueue_dma source(%dma_start3A_46 : memref<80x125xi32, #tpu.memory_space<hbm>>) target(%arg8 : memref<80x125xi32, #tpu.memory_space<vmem>>) target_semaphore(%arg13 : memref<!tpu.dma_semaphore, #tpu.memory_space<semaphore_mem>>)
      %dma_wait3A = arith.constant 0 : i32
      %dma_wait3A_47 = tpu.memref_slice %arg3[%add3A_39, %dma_wait3A] : memref<2560x125xi32, #tpu.memory_space<hbm>> -> memref<80x125xi32, #tpu.memory_space<hbm>>
      %dma_wait3A_48 = arith.constant 0 : i32
      %dma_wait3A_49 = tpu.memref_slice %arg3[%add3A_39, %dma_wait3A_48] : memref<2560x125xi32, #tpu.memory_space<hbm>> -> memref<80x125xi32, #tpu.memory_space<hbm>>
      tpu.wait_dma2 semaphore(%arg12 : memref<!tpu.dma_semaphore, #tpu.memory_space<semaphore_mem>>) src(%dma_wait3A_49 : memref<80x125xi32, #tpu.memory_space<hbm>>) dst(%arg7 : memref<80x125xi32, #tpu.memory_space<vmem>>)
      %dma_wait3A_50 = arith.constant 0 : i32
      %dma_wait3A_51 = tpu.memref_slice %arg4[%add3A_39, %dma_wait3A_50] : memref<2560x125xi32, #tpu.memory_space<hbm>> -> memref<80x125xi32, #tpu.memory_space<hbm>>
      %dma_wait3A_52 = arith.constant 0 : i32
      %dma_wait3A_53 = tpu.memref_slice %arg4[%add3A_39, %dma_wait3A_52] : memref<2560x125xi32, #tpu.memory_space<hbm>> -> memref<80x125xi32, #tpu.memory_space<hbm>>
      tpu.wait_dma2 semaphore(%arg13 : memref<!tpu.dma_semaphore, #tpu.memory_space<semaphore_mem>>) src(%dma_wait3A_53 : memref<80x125xi32, #tpu.memory_space<hbm>>) dst(%arg8 : memref<80x125xi32, #tpu.memory_space<vmem>>)
      %dma_start3A_54 = arith.constant 0 : i32
      %dma_start3A_55 = arith.constant 0 : i32
      %dma_start3A_56 = tpu.memref_slice %arg7[%dma_start3A_54, %dma_start3A_55] : memref<80x125xi32, #tpu.memory_space<vmem>> -> memref<1x125xi32, #tpu.memory_space<vmem>>
      %dma_start3A_57 = tpu.memref_squeeze %dma_start3A_56 : memref<1x125xi32, #tpu.memory_space<vmem>> -> memref<125xi32, #tpu.memory_space<vmem>>
      %dma_start3A_58 = arith.constant 0 : i32
      %dma_start3A_59 = arith.constant 0 : i32
      %dma_start3A_60 = tpu.memref_slice %arg2[%dma_start3A_58, %dma_start3A_59] : memref<10000x64xf32, #tpu.memory_space<hbm>> -> memref<10000x64xf32, #tpu.memory_space<hbm>>
      tpu.enqueue_indirect_dma source(%dma_start3A_60 : memref<10000x64xf32, #tpu.memory_space<hbm>>) target(%arg9 : memref<125x64xf32, #tpu.memory_space<vmem>>) offsets(%dma_start3A_57 : memref<125xi32, #tpu.memory_space<vmem>>) semaphore(%arg14 : memref<!tpu.dma_semaphore, #tpu.memory_space<semaphore_mem>>)
      %scan3A = arith.constant 0 : i32
      %scan3A_61 = arith.constant 0 : i32
      %scan3A_62 = arith.constant 40 : i32
      %scan3A_63 = arith.addi %scan3A_61, %scan3A_62 : i32
      %scan3A_64 = arith.constant 1 : i32
      scf.for %scan3A_73 = %scan3A_61 to %scan3A_63 step %scan3A_64  : i32 {
        %mul3A_74 = arith.constant 2 : i32
        %mul3A_75 = arith.muli %mul3A_74, %scan3A_73 : i32
        %ge3A = arith.constant 1 : i32
        %ge3A_76 = arith.cmpi sge, %scan3A_73, %ge3A : i32
        %convert_element_type3A_77 = arith.extui %ge3A_76 : i1 to i32
        %cond3A_78 = arith.constant 0 : i32
        %cond3A_79 = arith.cmpi ne, %convert_element_type3A_77, %cond3A_78 : i32
        scf.if %cond3A_79 {
          %dma_wait3A_130 = arith.constant 0 : i32
          %dma_wait3A_131 = arith.constant 0 : i32
          %dma_wait3A_132 = tpu.memref_slice %arg8[%dma_wait3A_130, %dma_wait3A_131] : memref<80x125xi32, #tpu.memory_space<vmem>> -> memref<1x125xi32, #tpu.memory_space<vmem>>
          %dma_wait3A_133 = tpu.memref_squeeze %dma_wait3A_132 : memref<1x125xi32, #tpu.memory_space<vmem>> -> memref<125xi32, #tpu.memory_space<vmem>>
          %dma_wait3A_134 = arith.constant 0 : i32
          %dma_wait3A_135 = arith.constant 0 : i32
          %dma_wait3A_136 = tpu.memref_slice %arg11[%dma_wait3A_134, %dma_wait3A_135] : memref<10000x64xf32, #tpu.memory_space<vmem_shared>> -> memref<10000x64xf32, #tpu.memory_space<vmem_shared>>
          tpu.wait_indirect_dma semaphore(%arg17 : memref<!tpu.dma_semaphore, #tpu.memory_space<semaphore_mem>>) src(%arg10 : memref<125x64xf32, #tpu.memory_space<vmem>>) dst(%dma_wait3A_136 : memref<10000x64xf32, #tpu.memory_space<vmem_shared>>)
        } else {
        }
        %add3A_80 = arith.constant 1 : i32
        %add3A_81 = arith.addi %mul3A_75, %add3A_80 : i32
        %dma_start3A_82 = arith.constant 0 : i32
        %dma_start3A_83 = tpu.memref_slice %arg7[%add3A_81, %dma_start3A_82] : memref<80x125xi32, #tpu.memory_space<vmem>> -> memref<1x125xi32, #tpu.memory_space<vmem>>
        %dma_start3A_84 = tpu.memref_squeeze %dma_start3A_83 : memref<1x125xi32, #tpu.memory_space<vmem>> -> memref<125xi32, #tpu.memory_space<vmem>>
        %dma_start3A_85 = arith.constant 0 : i32
        %dma_start3A_86 = arith.constant 0 : i32
        %dma_start3A_87 = tpu.memref_slice %arg2[%dma_start3A_85, %dma_start3A_86] : memref<10000x64xf32, #tpu.memory_space<hbm>> -> memref<10000x64xf32, #tpu.memory_space<hbm>>
        tpu.enqueue_indirect_dma source(%dma_start3A_87 : memref<10000x64xf32, #tpu.memory_space<hbm>>) target(%arg10 : memref<125x64xf32, #tpu.memory_space<vmem>>) offsets(%dma_start3A_84 : memref<125xi32, #tpu.memory_space<vmem>>) semaphore(%arg15 : memref<!tpu.dma_semaphore, #tpu.memory_space<semaphore_mem>>)
        %dma_wait3A_88 = arith.constant 0 : i32
        %dma_wait3A_89 = arith.constant 0 : i32
        %dma_wait3A_90 = tpu.memref_slice %arg7[%dma_wait3A_88, %dma_wait3A_89] : memref<80x125xi32, #tpu.memory_space<vmem>> -> memref<1x125xi32, #tpu.memory_space<vmem>>
        %dma_wait3A_91 = tpu.memref_squeeze %dma_wait3A_90 : memref<1x125xi32, #tpu.memory_space<vmem>> -> memref<125xi32, #tpu.memory_space<vmem>>
        %dma_wait3A_92 = arith.constant 0 : i32
        %dma_wait3A_93 = arith.constant 0 : i32
        %dma_wait3A_94 = tpu.memref_slice %arg2[%dma_wait3A_92, %dma_wait3A_93] : memref<10000x64xf32, #tpu.memory_space<hbm>> -> memref<10000x64xf32, #tpu.memory_space<hbm>>
        tpu.wait_indirect_dma semaphore(%arg14 : memref<!tpu.dma_semaphore, #tpu.memory_space<semaphore_mem>>) src(%dma_wait3A_94 : memref<10000x64xf32, #tpu.memory_space<hbm>>) dst(%arg9 : memref<125x64xf32, #tpu.memory_space<vmem>>)
        %dma_start3A_95 = arith.constant 0 : i32
        %dma_start3A_96 = tpu.memref_slice %arg8[%mul3A_75, %dma_start3A_95] : memref<80x125xi32, #tpu.memory_space<vmem>> -> memref<1x125xi32, #tpu.memory_space<vmem>>
        %dma_start3A_97 = tpu.memref_squeeze %dma_start3A_96 : memref<1x125xi32, #tpu.memory_space<vmem>> -> memref<125xi32, #tpu.memory_space<vmem>>
        %dma_start3A_98 = arith.constant 0 : i32
        %dma_start3A_99 = arith.constant 0 : i32
        %dma_start3A_100 = tpu.memref_slice %arg11[%dma_start3A_98, %dma_start3A_99] : memref<10000x64xf32, #tpu.memory_space<vmem_shared>> -> memref<10000x64xf32, #tpu.memory_space<vmem_shared>>
        tpu.enqueue_indirect_dma source(%arg9 : memref<125x64xf32, #tpu.memory_space<vmem>>) target(%dma_start3A_100 : memref<10000x64xf32, #tpu.memory_space<vmem_shared>>) offsets(%dma_start3A_97 : memref<125xi32, #tpu.memory_space<vmem>>) semaphore(%arg16 : memref<!tpu.dma_semaphore, #tpu.memory_space<semaphore_mem>>) {add = true}
        %dma_wait3A_101 = arith.constant 0 : i32
        %dma_wait3A_102 = arith.constant 0 : i32
        %dma_wait3A_103 = tpu.memref_slice %arg8[%dma_wait3A_101, %dma_wait3A_102] : memref<80x125xi32, #tpu.memory_space<vmem>> -> memref<1x125xi32, #tpu.memory_space<vmem>>
        %dma_wait3A_104 = tpu.memref_squeeze %dma_wait3A_103 : memref<1x125xi32, #tpu.memory_space<vmem>> -> memref<125xi32, #tpu.memory_space<vmem>>
        %dma_wait3A_105 = arith.constant 0 : i32
        %dma_wait3A_106 = arith.constant 0 : i32
        %dma_wait3A_107 = tpu.memref_slice %arg11[%dma_wait3A_105, %dma_wait3A_106] : memref<10000x64xf32, #tpu.memory_space<vmem_shared>> -> memref<10000x64xf32, #tpu.memory_space<vmem_shared>>
        tpu.wait_indirect_dma semaphore(%arg16 : memref<!tpu.dma_semaphore, #tpu.memory_space<semaphore_mem>>) src(%arg9 : memref<125x64xf32, #tpu.memory_space<vmem>>) dst(%dma_wait3A_107 : memref<10000x64xf32, #tpu.memory_space<vmem_shared>>)
        %add3A_108 = arith.constant 1 : i32
        %add3A_109 = arith.addi %scan3A_73, %add3A_108 : i32
        %lt3A_110 = arith.constant 40 : i32
        %lt3A_111 = arith.cmpi slt, %add3A_109, %lt3A_110 : i32
        %convert_element_type3A_112 = arith.extui %lt3A_111 : i1 to i32
        %cond3A_113 = arith.constant 0 : i32
        %cond3A_114 = arith.cmpi ne, %convert_element_type3A_112, %cond3A_113 : i32
        scf.if %cond3A_114 {
          %add3A_130 = arith.constant 2 : i32
          %add3A_131 = arith.addi %mul3A_75, %add3A_130 : i32
          %dma_start3A_132 = arith.constant 0 : i32
          %dma_start3A_133 = tpu.memref_slice %arg7[%add3A_131, %dma_start3A_132] : memref<80x125xi32, #tpu.memory_space<vmem>> -> memref<1x125xi32, #tpu.memory_space<vmem>>
          %dma_start3A_134 = tpu.memref_squeeze %dma_start3A_133 : memref<1x125xi32, #tpu.memory_space<vmem>> -> memref<125xi32, #tpu.memory_space<vmem>>
          %dma_start3A_135 = arith.constant 0 : i32
          %dma_start3A_136 = arith.constant 0 : i32
          %dma_start3A_137 = tpu.memref_slice %arg2[%dma_start3A_135, %dma_start3A_136] : memref<10000x64xf32, #tpu.memory_space<hbm>> -> memref<10000x64xf32, #tpu.memory_space<hbm>>
          tpu.enqueue_indirect_dma source(%dma_start3A_137 : memref<10000x64xf32, #tpu.memory_space<hbm>>) target(%arg9 : memref<125x64xf32, #tpu.memory_space<vmem>>) offsets(%dma_start3A_134 : memref<125xi32, #tpu.memory_space<vmem>>) semaphore(%arg14 : memref<!tpu.dma_semaphore, #tpu.memory_space<semaphore_mem>>)
        } else {
        }
        %dma_wait3A_115 = arith.constant 0 : i32
        %dma_wait3A_116 = arith.constant 0 : i32
        %dma_wait3A_117 = tpu.memref_slice %arg7[%dma_wait3A_115, %dma_wait3A_116] : memref<80x125xi32, #tpu.memory_space<vmem>> -> memref<1x125xi32, #tpu.memory_space<vmem>>
        %dma_wait3A_118 = tpu.memref_squeeze %dma_wait3A_117 : memref<1x125xi32, #tpu.memory_space<vmem>> -> memref<125xi32, #tpu.memory_space<vmem>>
        %dma_wait3A_119 = arith.constant 0 : i32
        %dma_wait3A_120 = arith.constant 0 : i32
        %dma_wait3A_121 = tpu.memref_slice %arg2[%dma_wait3A_119, %dma_wait3A_120] : memref<10000x64xf32, #tpu.memory_space<hbm>> -> memref<10000x64xf32, #tpu.memory_space<hbm>>
        tpu.wait_indirect_dma semaphore(%arg15 : memref<!tpu.dma_semaphore, #tpu.memory_space<semaphore_mem>>) src(%dma_wait3A_121 : memref<10000x64xf32, #tpu.memory_space<hbm>>) dst(%arg10 : memref<125x64xf32, #tpu.memory_space<vmem>>)
        %add3A_122 = arith.constant 1 : i32
        %add3A_123 = arith.addi %mul3A_75, %add3A_122 : i32
        %dma_start3A_124 = arith.constant 0 : i32
        %dma_start3A_125 = tpu.memref_slice %arg8[%add3A_123, %dma_start3A_124] : memref<80x125xi32, #tpu.memory_space<vmem>> -> memref<1x125xi32, #tpu.memory_space<vmem>>
        %dma_start3A_126 = tpu.memref_squeeze %dma_start3A_125 : memref<1x125xi32, #tpu.memory_space<vmem>> -> memref<125xi32, #tpu.memory_space<vmem>>
        %dma_start3A_127 = arith.constant 0 : i32
        %dma_start3A_128 = arith.constant 0 : i32
        %dma_start3A_129 = tpu.memref_slice %arg11[%dma_start3A_127, %dma_start3A_128] : memref<10000x64xf32, #tpu.memory_space<vmem_shared>> -> memref<10000x64xf32, #tpu.memory_space<vmem_shared>>
        tpu.enqueue_indirect_dma source(%arg10 : memref<125x64xf32, #tpu.memory_space<vmem>>) target(%dma_start3A_129 : memref<10000x64xf32, #tpu.memory_space<vmem_shared>>) offsets(%dma_start3A_126 : memref<125xi32, #tpu.memory_space<vmem>>) semaphore(%arg17 : memref<!tpu.dma_semaphore, #tpu.memory_space<semaphore_mem>>) {add = true}
      }
      %scan3A_65 = arith.constant 40 : i32
      %dma_wait3A_66 = arith.constant 0 : i32
      %dma_wait3A_67 = arith.constant 0 : i32
      %dma_wait3A_68 = tpu.memref_slice %arg8[%dma_wait3A_66, %dma_wait3A_67] : memref<80x125xi32, #tpu.memory_space<vmem>> -> memref<1x125xi32, #tpu.memory_space<vmem>>
      %dma_wait3A_69 = tpu.memref_squeeze %dma_wait3A_68 : memref<1x125xi32, #tpu.memory_space<vmem>> -> memref<125xi32, #tpu.memory_space<vmem>>
      %dma_wait3A_70 = arith.constant 0 : i32
      %dma_wait3A_71 = arith.constant 0 : i32
      %dma_wait3A_72 = tpu.memref_slice %arg11[%dma_wait3A_70, %dma_wait3A_71] : memref<10000x64xf32, #tpu.memory_space<vmem_shared>> -> memref<10000x64xf32, #tpu.memory_space<vmem_shared>>
      tpu.wait_indirect_dma semaphore(%arg17 : memref<!tpu.dma_semaphore, #tpu.memory_space<semaphore_mem>>) src(%arg10 : memref<125x64xf32, #tpu.memory_space<vmem>>) dst(%dma_wait3A_72 : memref<10000x64xf32, #tpu.memory_space<vmem_shared>>)
    }
    %barrier3A_25 = arith.constant 0 : index
    tpu.barrier barrier_id(%barrier3A_25)
    %lt3A_26 = arith.constant 15 : i32
    %lt3A_27 = arith.cmpi slt, %arg1, %lt3A_26 : i32
    %convert_element_type3A_28 = arith.extui %lt3A_27 : i1 to i32
    %cond3A_29 = arith.constant 0 : i32
    %cond3A_30 = arith.cmpi ne, %convert_element_type3A_28, %cond3A_29 : i32
    scf.if %cond3A_30 {
      %mul3A_36 = arith.constant 632 : i32
      %mul3A_37 = arith.muli %arg1, %mul3A_36 : i32
      %mul3A_38 = arith.constant 632 : i32
      %mul3A_39 = arith.muli %arg1, %mul3A_38 : i32
      "tpu.region"() ({
        %run_scoped3A = tpu.sem_alloc : memref<!tpu.dma_semaphore, #tpu.memory_space<semaphore_mem>>
        %dma_start3A = arith.constant 0 : i32
        %dma_start3A_40 = tpu.memref_slice %arg6[%arg0, %mul3A_39, %dma_start3A] : memref<2x10000x64xf32, #tpu.memory_space<hbm>> -> memref<1x632x64xf32, #tpu.memory_space<hbm>>
        %dma_start3A_41 = tpu.memref_squeeze %dma_start3A_40 : memref<1x632x64xf32, #tpu.memory_space<hbm>> -> memref<632x64xf32, #tpu.memory_space<hbm>>
        %dma_start3A_42 = arith.constant 0 : i32
        %dma_start3A_43 = tpu.memref_slice %arg11[%mul3A_37, %dma_start3A_42] : memref<10000x64xf32, #tpu.memory_space<vmem_shared>> -> memref<632x64xf32, #tpu.memory_space<vmem_shared>>
        tpu.enqueue_dma source(%dma_start3A_43 : memref<632x64xf32, #tpu.memory_space<vmem_shared>>) target(%dma_start3A_41 : memref<632x64xf32, #tpu.memory_space<hbm>>) target_semaphore(%run_scoped3A : memref<!tpu.dma_semaphore, #tpu.memory_space<semaphore_mem>>)
        %dma_wait3A = arith.constant 0 : i32
        %dma_wait3A_44 = tpu.memref_slice %arg6[%arg0, %mul3A_39, %dma_wait3A] : memref<2x10000x64xf32, #tpu.memory_space<hbm>> -> memref<1x632x64xf32, #tpu.memory_space<hbm>>
        %dma_wait3A_45 = tpu.memref_squeeze %dma_wait3A_44 : memref<1x632x64xf32, #tpu.memory_space<hbm>> -> memref<632x64xf32, #tpu.memory_space<hbm>>
        %dma_wait3A_46 = arith.constant 0 : i32
        %dma_wait3A_47 = tpu.memref_slice %arg11[%mul3A_37, %dma_wait3A_46] : memref<10000x64xf32, #tpu.memory_space<vmem_shared>> -> memref<632x64xf32, #tpu.memory_space<vmem_shared>>
        tpu.wait_dma2 semaphore(%run_scoped3A : memref<!tpu.dma_semaphore, #tpu.memory_space<semaphore_mem>>) src(%dma_wait3A_47 : memref<632x64xf32, #tpu.memory_space<vmem_shared>>) dst(%dma_wait3A_45 : memref<632x64xf32, #tpu.memory_space<hbm>>)
        tpu.yield
      }) : () -> ()
    } else {
    }
    %eq3A_31 = arith.constant 15 : i32
    %eq3A_32 = arith.cmpi eq, %arg1, %eq3A_31 : i32
    %convert_element_type3A_33 = arith.extui %eq3A_32 : i1 to i32
    %cond3A_34 = arith.constant 0 : i32
    %cond3A_35 = arith.cmpi ne, %convert_element_type3A_33, %cond3A_34 : i32
    scf.if %cond3A_35 {
      "tpu.region"() ({
        %run_scoped3A = tpu.sem_alloc : memref<!tpu.dma_semaphore, #tpu.memory_space<semaphore_mem>>
        %dma_start3A = arith.constant 9480 : i32
        %dma_start3A_36 = arith.constant 0 : i32
        %dma_start3A_37 = tpu.memref_slice %arg6[%arg0, %dma_start3A, %dma_start3A_36] : memref<2x10000x64xf32, #tpu.memory_space<hbm>> -> memref<1x520x64xf32, #tpu.memory_space<hbm>>
        %dma_start3A_38 = tpu.memref_squeeze %dma_start3A_37 : memref<1x520x64xf32, #tpu.memory_space<hbm>> -> memref<520x64xf32, #tpu.memory_space<hbm>>
        %dma_start3A_39 = arith.constant 9480 : i32
        %dma_start3A_40 = arith.constant 0 : i32
        %dma_start3A_41 = tpu.memref_slice %arg11[%dma_start3A_39, %dma_start3A_40] : memref<10000x64xf32, #tpu.memory_space<vmem_shared>> -> memref<520x64xf32, #tpu.memory_space<vmem_shared>>
        tpu.enqueue_dma source(%dma_start3A_41 : memref<520x64xf32, #tpu.memory_space<vmem_shared>>) target(%dma_start3A_38 : memref<520x64xf32, #tpu.memory_space<hbm>>) target_semaphore(%run_scoped3A : memref<!tpu.dma_semaphore, #tpu.memory_space<semaphore_mem>>)
        %dma_wait3A = arith.constant 9480 : i32
        %dma_wait3A_42 = arith.constant 0 : i32
        %dma_wait3A_43 = tpu.memref_slice %arg6[%arg0, %dma_wait3A, %dma_wait3A_42] : memref<2x10000x64xf32, #tpu.memory_space<hbm>> -> memref<1x520x64xf32, #tpu.memory_space<hbm>>
        %dma_wait3A_44 = tpu.memref_squeeze %dma_wait3A_43 : memref<1x520x64xf32, #tpu.memory_space<hbm>> -> memref<520x64xf32, #tpu.memory_space<hbm>>
        %dma_wait3A_45 = arith.constant 9480 : i32
        %dma_wait3A_46 = arith.constant 0 : i32
        %dma_wait3A_47 = tpu.memref_slice %arg11[%dma_wait3A_45, %dma_wait3A_46] : memref<10000x64xf32, #tpu.memory_space<vmem_shared>> -> memref<520x64xf32, #tpu.memory_space<vmem_shared>>
        tpu.wait_dma2 semaphore(%run_scoped3A : memref<!tpu.dma_semaphore, #tpu.memory_space<semaphore_mem>>) src(%dma_wait3A_47 : memref<520x64xf32, #tpu.memory_space<vmem_shared>>) dst(%dma_wait3A_44 : memref<520x64xf32, #tpu.memory_space<hbm>>)
        tpu.yield
      }) : () -> ()
    } else {
    }
    return
  }
}

module attributes {stable_mosaic.version = 14 : i64} {
  func.func @_tc1_body(%arg0: i32, %arg1: memref<2000x128xf32, #tpu.memory_space<vmem>>, %arg2: memref<1x2000x144xf32, #tpu.memory_space<vmem>>, %arg3: memref<1x2000x144xf32, #tpu.memory_space<vmem>>, %arg4: memref<128x128xf32, #tpu.memory_space<vmem>>, %arg5: memref<128x128xf32, #tpu.memory_space<vmem>>, %arg6: memref<1x128xf32, #tpu.memory_space<vmem>>, %arg7: memref<64x128xf32, #tpu.memory_space<vmem>>, %arg8: memref<64x128xf32, #tpu.memory_space<vmem>>, %arg9: memref<2000x64xf32, #tpu.memory_space<vmem>>, %arg10: memref<2000x64xf32, #tpu.memory_space<vmem>>, %arg11: memref<2000x8xf32, #tpu.memory_space<vmem>>) attributes {dimension_semantics = [#tpu.dimension_semantics<arbitrary>], iteration_bounds = array<i64: 5>, scalar_prefetch = 0 : i64, scratch_operands = 0 : i64, tpu.core_type = #tpu.core_type<tc>, window_params = [{transform_indices = @transform_0, window_bounds = array<i64: 2000, 128>}, {transform_indices = @transform_1, window_bounds = array<i64: 1, 2000, 144>}, {transform_indices = @transform_2, window_bounds = array<i64: 1, 2000, 144>}, {pipeline_mode = #tpu.pipeline_mode<synchronous>, transform_indices = @transform_3, window_bounds = array<i64: 128, 128>}, {pipeline_mode = #tpu.pipeline_mode<synchronous>, transform_indices = @transform_4, window_bounds = array<i64: 128, 128>}, {pipeline_mode = #tpu.pipeline_mode<synchronous>, transform_indices = @transform_5, window_bounds = array<i64: 1, 128>}, {pipeline_mode = #tpu.pipeline_mode<synchronous>, transform_indices = @transform_6, window_bounds = array<i64: 64, 128>}, {pipeline_mode = #tpu.pipeline_mode<synchronous>, transform_indices = @transform_7, window_bounds = array<i64: 64, 128>}, {transform_indices = @transform_8, window_bounds = array<i64: 2000, 64>}, {transform_indices = @transform_9, window_bounds = array<i64: 2000, 64>}, {transform_indices = @transform_10, window_bounds = array<i64: 2000, 8>}]} {
    %get3A = arith.constant 0 : index
    %get3A_0 = arith.constant 0 : index
    %get3A_1 = arith.constant 0 : index
    %get3A_2 = vector.load %arg2[%get3A, %get3A_0, %get3A_1] : memref<1x2000x144xf32, #tpu.memory_space<vmem>>, vector<1x2000x144xf32>
    %get3A_3 = vector.shape_cast %get3A_2 : vector<1x2000x144xf32> to vector<2000x144xf32>
    %get3A_4 = arith.constant 0 : index
    %get3A_5 = arith.constant 0 : index
    %get3A_6 = arith.constant 0 : index
    %get3A_7 = vector.load %arg3[%get3A_4, %get3A_5, %get3A_6] : memref<1x2000x144xf32, #tpu.memory_space<vmem>>, vector<1x2000x144xf32>
    %get3A_8 = vector.shape_cast %get3A_7 : vector<1x2000x144xf32> to vector<2000x144xf32>
    %slice3A = vector.extract_strided_slice %get3A_3 {offsets = [0, 0], sizes = [2000, 128], strides = [1, 1]} : vector<2000x144xf32> to vector<2000x128xf32>
    %slice3A_9 = vector.extract_strided_slice %get3A_8 {offsets = [0, 0], sizes = [2000, 128], strides = [1, 1]} : vector<2000x144xf32> to vector<2000x128xf32>
    %add3A = arith.addf %slice3A, %slice3A_9 : vector<2000x128xf32>
    %slice3A_10 = vector.extract_strided_slice %get3A_3 {offsets = [0, 128], sizes = [2000, 1], strides = [1, 1]} : vector<2000x144xf32> to vector<2000x1xf32>
    %slice3A_11 = vector.extract_strided_slice %get3A_8 {offsets = [0, 128], sizes = [2000, 1], strides = [1, 1]} : vector<2000x144xf32> to vector<2000x1xf32>
    %add3A_12 = arith.addf %slice3A_10, %slice3A_11 : vector<2000x1xf32>
    %max3A = arith.constant 1.000000e+00 : f32
    %max3A_13 = vector.broadcast %max3A : f32 to vector<2000x1xf32>
    %max3A_14 = arith.maximumf %add3A_12, %max3A_13 : vector<2000x1xf32>
    %div3A = arith.constant 1.000000e+00 : f32
    %div3A_15 = vector.broadcast %div3A : f32 to vector<2000x1xf32>
    %div3A_16 = arith.divf %div3A_15, %max3A_14 : vector<2000x1xf32>
    %mul3A = vector.broadcast %div3A_16 : vector<2000x1xf32> to vector<2000x128xf32>
    %mul3A_17 = arith.mulf %add3A, %mul3A : vector<2000x128xf32>
    %get3A_18 = arith.constant 0 : index
    %get3A_19 = arith.constant 0 : index
    %get3A_20 = vector.load %arg1[%get3A_18, %get3A_19] : memref<2000x128xf32, #tpu.memory_space<vmem>>, vector<2000x128xf32>
    %get3A_21 = arith.constant 0 : index
    %get3A_22 = arith.constant 0 : index
    %get3A_23 = vector.load %arg4[%get3A_21, %get3A_22] : memref<128x128xf32, #tpu.memory_space<vmem>>, vector<128x128xf32>
    %dot_general3A = arith.constant dense<0.000000e+00> : vector<2000x128xf32>
    %dot_general3A_24 = tpu.matmul %get3A_20, %get3A_23, %dot_general3A {dimension_numbers = #tpu.dot_dimension_numbers<[1], [1], [0], [0], [0, 0, 1, 0], [], []>, transpose_lhs_hint = false} : vector<2000x128xf32>, vector<128x128xf32>, vector<2000x128xf32> -> vector<2000x128xf32>
    %get3A_25 = arith.constant 0 : index
    %get3A_26 = arith.constant 0 : index
    %get3A_27 = vector.load %arg5[%get3A_25, %get3A_26] : memref<128x128xf32, #tpu.memory_space<vmem>>, vector<128x128xf32>
    %dot_general3A_28 = arith.constant dense<0.000000e+00> : vector<2000x128xf32>
    %dot_general3A_29 = tpu.matmul %mul3A_17, %get3A_27, %dot_general3A_28 {dimension_numbers = #tpu.dot_dimension_numbers<[1], [1], [0], [0], [0, 0, 1, 0], [], []>, transpose_lhs_hint = false} : vector<2000x128xf32>, vector<128x128xf32>, vector<2000x128xf32> -> vector<2000x128xf32>
    %add3A_30 = arith.addf %dot_general3A_24, %dot_general3A_29 : vector<2000x128xf32>
    %get3A_31 = arith.constant 0 : index
    %get3A_32 = arith.constant 0 : index
    %get3A_33 = vector.load %arg6[%get3A_31, %get3A_32] : memref<1x128xf32, #tpu.memory_space<vmem>>, vector<1x128xf32>
    %add3A_34 = vector.broadcast %get3A_33 : vector<1x128xf32> to vector<2000x128xf32>
    %add3A_35 = arith.addf %add3A_30, %add3A_34 : vector<2000x128xf32>
    %max3A_36 = arith.constant 0.000000e+00 : f32
    %max3A_37 = vector.broadcast %max3A_36 : f32 to vector<2000x128xf32>
    %max3A_38 = arith.maximumf %add3A_35, %max3A_37 : vector<2000x128xf32>
    %get3A_39 = arith.constant 0 : index
    %get3A_40 = arith.constant 0 : index
    %get3A_41 = vector.load %arg7[%get3A_39, %get3A_40] : memref<64x128xf32, #tpu.memory_space<vmem>>, vector<64x128xf32>
    %dot_general3A_42 = arith.constant dense<0.000000e+00> : vector<2000x64xf32>
    %dot_general3A_43 = tpu.matmul %max3A_38, %get3A_41, %dot_general3A_42 {dimension_numbers = #tpu.dot_dimension_numbers<[1], [1], [0], [0], [0, 0, 1, 0], [], []>, transpose_lhs_hint = false} : vector<2000x128xf32>, vector<64x128xf32>, vector<2000x64xf32> -> vector<2000x64xf32>
    %swap3A = arith.constant 0 : index
    %swap3A_44 = arith.constant 0 : index
    %swap3A_45 = vector.load %arg9[%swap3A, %swap3A_44] : memref<2000x64xf32, #tpu.memory_space<vmem>>, vector<2000x64xf32>
    tpu.vector_store %arg9[%swap3A, %swap3A_44], %dot_general3A_43 {strides = array<i32>} : memref<2000x64xf32, #tpu.memory_space<vmem>>, vector<2000x64xf32>,
    %get3A_46 = arith.constant 0 : index
    %get3A_47 = arith.constant 0 : index
    %get3A_48 = vector.load %arg8[%get3A_46, %get3A_47] : memref<64x128xf32, #tpu.memory_space<vmem>>, vector<64x128xf32>
    %dot_general3A_49 = arith.constant dense<0.000000e+00> : vector<2000x64xf32>
    %dot_general3A_50 = tpu.matmul %max3A_38, %get3A_48, %dot_general3A_49 {dimension_numbers = #tpu.dot_dimension_numbers<[1], [1], [0], [0], [0, 0, 1, 0], [], []>, transpose_lhs_hint = false} : vector<2000x128xf32>, vector<64x128xf32>, vector<2000x64xf32> -> vector<2000x64xf32>
    %swap3A_51 = arith.constant 0 : index
    %swap3A_52 = arith.constant 0 : index
    %swap3A_53 = vector.load %arg10[%swap3A_51, %swap3A_52] : memref<2000x64xf32, #tpu.memory_space<vmem>>, vector<2000x64xf32>
    tpu.vector_store %arg10[%swap3A_51, %swap3A_52], %dot_general3A_50 {strides = array<i32>} : memref<2000x64xf32, #tpu.memory_space<vmem>>, vector<2000x64xf32>,
    %broadcast_in_dim3A = vector.shape_cast %div3A_16 : vector<2000x1xf32> to vector<2000x1xf32>
    %broadcast_in_dim3A_54 = vector.broadcast %broadcast_in_dim3A : vector<2000x1xf32> to vector<2000x8xf32>
    %swap3A_55 = arith.constant 0 : index
    %swap3A_56 = arith.constant 0 : index
    %swap3A_57 = vector.load %arg11[%swap3A_55, %swap3A_56] : memref<2000x8xf32, #tpu.memory_space<vmem>>, vector<2000x8xf32>
    tpu.vector_store %arg11[%swap3A_55, %swap3A_56], %broadcast_in_dim3A_54 {strides = array<i32>} : memref<2000x8xf32, #tpu.memory_space<vmem>>, vector<2000x8xf32>,
    return
  }
  func.func @transform_0(%arg0: i32) -> (i32, i32) {
    %c0_i32 = arith.constant 0 : i32
    %c0_i32_0 = arith.constant 0 : i32
    return %arg0, %c0_i32 : i32, i32
  }
  func.func @transform_1(%arg0: i32) -> (i32, i32, i32) {
    %c0_i32 = arith.constant 0 : i32
    %c0_i32_0 = arith.constant 0 : i32
    %c0_i32_1 = arith.constant 0 : i32
    return %c0_i32, %arg0, %c0_i32_0 : i32, i32, i32
  }
  func.func @transform_2(%arg0: i32) -> (i32, i32, i32) {
    %c1_i32 = arith.constant 1 : i32
    %c0_i32 = arith.constant 0 : i32
    %c0_i32_0 = arith.constant 0 : i32
    return %c1_i32, %arg0, %c0_i32 : i32, i32, i32
  }
  func.func @transform_3(%arg0: i32) -> (i32, i32) {
    %c0_i32 = arith.constant 0 : i32
    %c0_i32_0 = arith.constant 0 : i32
    %c0_i32_1 = arith.constant 0 : i32
    return %c0_i32, %c0_i32_0 : i32, i32
  }
  func.func @transform_4(%arg0: i32) -> (i32, i32) {
    %c0_i32 = arith.constant 0 : i32
    %c0_i32_0 = arith.constant 0 : i32
    %c0_i32_1 = arith.constant 0 : i32
    return %c0_i32, %c0_i32_0 : i32, i32
  }
  func.func @transform_5(%arg0: i32) -> (i32, i32) {
    %c0_i32 = arith.constant 0 : i32
    %c0_i32_0 = arith.constant 0 : i32
    %c0_i32_1 = arith.constant 0 : i32
    return %c0_i32, %c0_i32_0 : i32, i32
  }
  func.func @transform_6(%arg0: i32) -> (i32, i32) {
    %c0_i32 = arith.constant 0 : i32
    %c0_i32_0 = arith.constant 0 : i32
    %c0_i32_1 = arith.constant 0 : i32
    return %c0_i32, %c0_i32_0 : i32, i32
  }
  func.func @transform_7(%arg0: i32) -> (i32, i32) {
    %c0_i32 = arith.constant 0 : i32
    %c0_i32_0 = arith.constant 0 : i32
    %c0_i32_1 = arith.constant 0 : i32
    return %c0_i32, %c0_i32_0 : i32, i32
  }
  func.func @transform_8(%arg0: i32) -> (i32, i32) {
    %c0_i32 = arith.constant 0 : i32
    %c0_i32_0 = arith.constant 0 : i32
    return %arg0, %c0_i32 : i32, i32
  }
  func.func @transform_9(%arg0: i32) -> (i32, i32) {
    %c0_i32 = arith.constant 0 : i32
    %c0_i32_0 = arith.constant 0 : i32
    return %arg0, %c0_i32 : i32, i32
  }
  func.func @transform_10(%arg0: i32) -> (i32, i32) {
    %c0_i32 = arith.constant 0 : i32
    %c0_i32_0 = arith.constant 0 : i32
    return %arg0, %c0_i32 : i32, i32
  }
}

module attributes {stable_mosaic.version = 14 : i64} {
  func.func @_tc2_body(%arg0: i32, %arg1: memref<2000x64xf32, #tpu.memory_space<vmem>>, %arg2: memref<1x2000x64xf32, #tpu.memory_space<vmem>>, %arg3: memref<1x2000x64xf32, #tpu.memory_space<vmem>>, %arg4: memref<2000x8xf32, #tpu.memory_space<vmem>>, %arg5: memref<1x64xf32, #tpu.memory_space<vmem>>, %arg6: memref<2000x64xf32, #tpu.memory_space<vmem>>) attributes {dimension_semantics = [#tpu.dimension_semantics<arbitrary>], iteration_bounds = array<i64: 5>, scalar_prefetch = 0 : i64, scratch_operands = 0 : i64, tpu.core_type = #tpu.core_type<tc>, window_params = [{transform_indices = @transform_0, window_bounds = array<i64: 2000, 64>}, {transform_indices = @transform_1, window_bounds = array<i64: 1, 2000, 64>}, {transform_indices = @transform_2, window_bounds = array<i64: 1, 2000, 64>}, {transform_indices = @transform_3, window_bounds = array<i64: 2000, 8>}, {pipeline_mode = #tpu.pipeline_mode<synchronous>, transform_indices = @transform_4, window_bounds = array<i64: 1, 64>}, {transform_indices = @transform_5, window_bounds = array<i64: 2000, 64>}]} {
    %get3A = arith.constant 0 : index
    %get3A_0 = arith.constant 0 : index
    %get3A_1 = arith.constant 0 : index
    %get3A_2 = vector.load %arg2[%get3A, %get3A_0, %get3A_1] : memref<1x2000x64xf32, #tpu.memory_space<vmem>>, vector<1x2000x64xf32>
    %get3A_3 = vector.shape_cast %get3A_2 : vector<1x2000x64xf32> to vector<2000x64xf32>
    %get3A_4 = arith.constant 0 : index
    %get3A_5 = arith.constant 0 : index
    %get3A_6 = arith.constant 0 : index
    %get3A_7 = vector.load %arg3[%get3A_4, %get3A_5, %get3A_6] : memref<1x2000x64xf32, #tpu.memory_space<vmem>>, vector<1x2000x64xf32>
    %get3A_8 = vector.shape_cast %get3A_7 : vector<1x2000x64xf32> to vector<2000x64xf32>
    %add3A = arith.addf %get3A_3, %get3A_8 : vector<2000x64xf32>
    %get3A_9 = arith.constant 0 : index
    %get3A_10 = arith.constant 0 : index
    %get3A_11 = vector.load %arg4[%get3A_9, %get3A_10] : memref<2000x8xf32, #tpu.memory_space<vmem>>, vector<2000x1xf32>
    %mul3A = vector.broadcast %get3A_11 : vector<2000x1xf32> to vector<2000x64xf32>
    %mul3A_12 = arith.mulf %add3A, %mul3A : vector<2000x64xf32>
    %get3A_13 = arith.constant 0 : index
    %get3A_14 = arith.constant 0 : index
    %get3A_15 = vector.load %arg1[%get3A_13, %get3A_14] : memref<2000x64xf32, #tpu.memory_space<vmem>>, vector<2000x64xf32>
    %add3A_16 = arith.addf %get3A_15, %mul3A_12 : vector<2000x64xf32>
    %get3A_17 = arith.constant 0 : index
    %get3A_18 = arith.constant 0 : index
    %get3A_19 = vector.load %arg5[%get3A_17, %get3A_18] : memref<1x64xf32, #tpu.memory_space<vmem>>, vector<1x64xf32>
    %add3A_20 = vector.broadcast %get3A_19 : vector<1x64xf32> to vector<2000x64xf32>
    %add3A_21 = arith.addf %add3A_16, %add3A_20 : vector<2000x64xf32>
    %swap3A = arith.constant 0 : index
    %swap3A_22 = arith.constant 0 : index
    %swap3A_23 = vector.load %arg6[%swap3A, %swap3A_22] : memref<2000x64xf32, #tpu.memory_space<vmem>>, vector<2000x64xf32>
    tpu.vector_store %arg6[%swap3A, %swap3A_22], %add3A_21 {strides = array<i32>} : memref<2000x64xf32, #tpu.memory_space<vmem>>, vector<2000x64xf32>,
    return
  }
  func.func @transform_0(%arg0: i32) -> (i32, i32) {
    %c0_i32 = arith.constant 0 : i32
    %c0_i32_0 = arith.constant 0 : i32
    return %arg0, %c0_i32 : i32, i32
  }
  func.func @transform_1(%arg0: i32) -> (i32, i32, i32) {
    %c0_i32 = arith.constant 0 : i32
    %c0_i32_0 = arith.constant 0 : i32
    %c0_i32_1 = arith.constant 0 : i32
    return %c0_i32, %arg0, %c0_i32_0 : i32, i32, i32
  }
  func.func @transform_2(%arg0: i32) -> (i32, i32, i32) {
    %c1_i32 = arith.constant 1 : i32
    %c0_i32 = arith.constant 0 : i32
    %c0_i32_0 = arith.constant 0 : i32
    return %c1_i32, %arg0, %c0_i32 : i32, i32, i32
  }
  func.func @transform_3(%arg0: i32) -> (i32, i32) {
    %c0_i32 = arith.constant 0 : i32
    %c0_i32_0 = arith.constant 0 : i32
    return %arg0, %c0_i32 : i32, i32
  }
  func.func @transform_4(%arg0: i32) -> (i32, i32) {
    %c0_i32 = arith.constant 0 : i32
    %c0_i32_0 = arith.constant 0 : i32
    %c0_i32_1 = arith.constant 0 : i32
    return %c0_i32, %c0_i32_0 : i32, i32
  }
  func.func @transform_5(%arg0: i32) -> (i32, i32) {
    %c0_i32 = arith.constant 0 : i32
    %c0_i32_0 = arith.constant 0 : i32
    return %arg0, %c0_i32 : i32, i32
  }
}

</mosaic_0001>

<sc_bundles>
// kernel: kernel.6.cloned.1.call-start
scs
__scs_entry_jumppad:
0x0: {  	(pc) =	sbr.rel $0x88, $3  }
0x1: {  	(tag) =	ssettag $0x0;
	lr =	simm.s32 $0x1  }
0x2: {  	[smem:$0x3F99] =	sst lr;
	_ =	strace $0xD0000000  }
0x3: {  	_ = 	snop  }
0x4: {  	_ = 	snop  }
0x5: {  	_ = 	snop  }
0x6: {  	_ = 	snop  }
0x7: {  	_ = 	snop  }
__scs_overlays_trampoline_lowered:
0x8: {  	[smem:$0x3FA8] =	sst s0  }
0x9: {  	[smem:$0x3FA9] =	sst s1  }
0xa: {  	[smem:$0x3FAA] =	sst s2  }
0xb: {  	[smem:$0x3FAB] =	sst s3  }
0xc: {  	[smem:$0x3FAC] =	sst s4  }
0xd: {  	[smem:$0x3FAD] =	sst s5  }
0xe: {  	[smem:$0x3FAE] =	sst s6  }
0xf: {  	[smem:$0x3FAF] =	sst s7  }
0x10: {  	[smem:$0x3FB0] =	sst s8  }
0x11: {  	[smem:$0x3FB1] =	sst s9;
	s0 =	simm.s32 @!p0 $0x0  }
0x12: {  	s1 =	sld [smem:$0x3F97];
	s0 =	simm.s32 @p0 $0x1  }
0x13: {  	[smem:$0x3FB2] =	sst s0;
	s0 =	simm.s32 @!p1 $0x0  }
0x14: {  	s2 =	sld [smem:$0x3F96];
	s0 =	simm.s32 @p1 $0x1  }
0x15: {  	[smem:$0x3FB3] =	sst s0;
	s0 =	simm.s32 @!p2 $0x0  }
0x16: {  	s3 =	sld [smem:$0x3FDB];
	s0 =	simm.s32 @p2 $0x1  }
0x17: {  	s4 =	simm.s32 $0x1BF5;
	[smem:$0x3FB5] =	sst s0  }
0x18: {  	s0 =	sld [smem:$0x3F98];
	_ =	swait.ge [sflag:s4], $0x0  }
0x19: {  	s7 =	sld [smem:$0x3F99]  }
0x1a: {  	s8 =	sadd.s32 $0xFFFFE003, lr  }
0x1b: {  	s9 =	sadd.s32 $0xFFFFFEF7, lr;
	s5 =	simm.s32 $0xFFFFFFFF;
	p2 =	slt.u32 s8, $0xFFFFF086  }
0x1c: {  	p1 =	slt.u32 s9, $0xF7A;
	s5 =	simm.s32 @!p2 $0x0  }
0x1d: {  	s5 =	simm.s32 @p1 $0x1;
	p0 =	seq.s32 s7, s2  }
0x1e: {  	s7 =	smul.u32 @!p0 $0xF7A, s2;
	p2 =	seq.s32 @!p0 s5, $0x0  }
0x1f: {  	s9 =	smul.u32 $0xF7A, s1;
	s8 =	simm.s32 @!p0 $0x1BF5;
	p2 =	por !p2, p0  }
0x20: {  	[sflag:s8] =	ssyncset.s32 @!p0 $0xFFFFF086;
	s6 =	sadd.s32 @!p0 s3, s7;
	s7 =	simm.s32 @!p0 $0x108  }
0x21: {  	s3 =	sadd.s32 s3, s9;
	s6 =	sadd.s32 @!p0 $0x88, s6;
	s7 =	simm.s32 @p2 $0x1082  }
0x22: {  	[simem:s7], [sflag:s8] =	dma.local @!p0 [hbm:s6], $0xF7A  }
0x23: {  	s9 =	sor.u32 $0xD0000000, s2;
	s6 =	simm.s32 $0x108;
	_ =	swait.ge @!p0 [sflag:s8], $0x0  }
0x24: {  	s3 =	sadd.s32 $0x88, s3;
	s6 =	simm.s32 @!p1 $0x1082;
	[sflag:s4] =	ssyncset.s32 $0xFFFFF086  }
0x25: {  	[simem:s6], [sflag:s4] =	dma.local [hbm:s3], $0xF7A  }
0x26: {  	[smem:$0x3F99] =	sst s1;
	(tag) =	ssettag s2;
	_ =	strace s9  }
0x27: {  	s1 =	sld [smem:$0x3FA9]  }
0x28: {  	s2 =	sld [smem:$0x3FAA]  }
0x29: {  	s4 =	sld [smem:$0x3FAC]  }
0x2a: {  	p0 =	seq.s32 s5, $0x0;
	s5 =	sld [smem:$0x3FAD]  }
0x2b: {  	s6 =	sld [smem:$0x3FAE]  }
0x2c: {  	s7 =	sld [smem:$0x3FAF]  }
0x2d: {  	s3 =	simm.s32 $0x108;
	s8 =	sld [smem:$0x3FB0]  }
0x2e: {  	s3 =	simm.s32 @!p0 $0x1082;
	s9 =	sld [smem:$0x3FB1]  }
0x2f: {  	lr =	sadd.s32 s0, s3;
	s0 =	sld [smem:$0x3FA8]  }
0x30: {  	s3 =	sld [smem:$0x3FAB]  }
0x31: {  	[smem:$0x3FB4] =	sst s10  }
0x32: {  	s10 =	sld [smem:$0x3FB2];
	_ =	sdelay $0x3  }
0x33: {  	p0 =	seq.s32 s10, $0x1;
	s10 =	sld [smem:$0x3FB4];
	_ =	sdelay $0x3  }
0x34: {  	[smem:$0x3FB4] =	sst s10  }
0x35: {  	s10 =	sld [smem:$0x3FB3];
	_ =	sdelay $0x3  }
0x36: {  	p1 =	seq.s32 s10, $0x1;
	s10 =	sld [smem:$0x3FB4];
	_ =	sdelay $0x3  }
0x37: {  	[smem:$0x3FB4] =	sst s10  }
0x38: {  	s10 =	sld [smem:$0x3FB5]  }
0x39: {  	_ = 	snop;
	(pc) =	sbr.ind lr, $3  }
0x3a: {  	_ = 	snop  }
0x3b: {  	_ = 	snop  }
0x3c: {  	p2 =	seq.s32 s10, $0x1;
	s10 =	sld [smem:$0x3FB4]  }
0x3d: {  	_ =	shalt  }
0x3e: {  	_ =	shalt  }
0x3f: {  	_ =	shalt  }
0x40: {  	_ =	shalt  }
0x41: {  	_ =	shalt  }
0x42: {  	_ =	shalt  }
0x43: {  	_ =	shalt  }
0x44: {  	_ =	shalt  }
0x45: {  	_ =	shalt  }
0x46: {  	_ =	shalt  }
0x47: {  	_ =	shalt  }
0x48: {  	_ =	shalt  }
0x49: {  	_ =	shalt  }
0x4a: {  	_ =	shalt  }
0x4b: {  	_ =	shalt  }
0x4c: {  	_ =	shalt  }
0x4d: {  	_ =	shalt  }
0x4e: {  	_ =	shalt  }
0x4f: {  	_ =	shalt  }
0x50: {  	_ =	shalt  }
0x51: {  	_ =	shalt  }
0x52: {  	_ =	shalt  }
0x53: {  	_ =	shalt  }
0x54: {  	_ =	shalt  }
0x55: {  	_ =	shalt  }
0x56: {  	_ =	shalt  }
0x57: {  	_ =	shalt  }
0x58: {  	_ =	shalt  }
0x59: {  	_ =	shalt  }
0x5a: {  	_ =	shalt  }
0x5b: {  	_ =	shalt  }
0x5c: {  	_ =	shalt  }
0x5d: {  	_ =	shalt  }
0x5e: {  	_ =	shalt  }
0x5f: {  	_ =	shalt  }
0x60: {  	_ =	shalt  }
0x61: {  	_ =	shalt  }
0x62: {  	_ =	shalt  }
0x63: {  	_ =	shalt  }
0x64: {  	_ =	shalt  }
0x65: {  	_ =	shalt  }
0x66: {  	_ =	shalt  }
0x67: {  	_ =	shalt  }
0x68: {  	_ =	shalt  }
0x69: {  	_ =	shalt  }
0x6a: {  	_ =	shalt  }
0x6b: {  	_ =	shalt  }
0x6c: {  	_ =	shalt  }
0x6d: {  	_ =	shalt  }
0x6e: {  	_ =	shalt  }
0x6f: {  	_ =	shalt  }
0x70: {  	_ =	shalt  }
0x71: {  	_ =	shalt  }
0x72: {  	_ =	shalt  }
0x73: {  	_ =	shalt  }
0x74: {  	_ =	shalt  }
0x75: {  	_ =	shalt  }
0x76: {  	_ =	shalt  }
0x77: {  	_ =	shalt  }
0x78: {  	_ =	shalt  }
0x79: {  	_ =	shalt  }
0x7a: {  	_ =	shalt  }
0x7b: {  	_ =	shalt  }
0x7c: {  	_ =	shalt  }
0x7d: {  	_ =	shalt  }
0x7e: {  	_ =	shalt  }
0x7f: {  	_ =	shalt  }
0x80: {  	_ =	shalt  }
0x81: {  	_ =	shalt  }
0x82: {  	_ =	shalt  }
0x83: {  	_ =	shalt  }
0x84: {  	_ =	shalt  }
0x85: {  	_ =	shalt  }
0x86: {  	_ =	shalt  }
0x87: {  	_ =	shalt  }
.Lfunc_end0:
.L_simem_size_0:
called_computation_lowered:
.L_overlay_start_0:
0x88: {  	s2 =	sld [smem:$0x3FD9]  }
0x89: {  	s3 =	sld [smem:$0x3FFE];
	_ =	sdelay $0x1  }
0x8a: {  	s1 =	srdreg.scid  }
0x8b: {  	s0 =	sand.u32 $0x1, s1  }
0x8c: {  	s17 =	sshll.u32 s0, $0xA;
	s2 =	sadd.s32 s3, s2  }
0x8d: {  	s2 =	sadd.s32 s2, s17  }
0x8e: {  	[smem:$0x3FC0] =	sst s2  }
0x8f: {  	_ = 	snop  }
0x90: {  	s2 =	sld [smem:$0x3FD0];
	(tm) =	ssettm $0x1  }
0x91: {  	s18 =	sld [smem:$0x3FFB];
	_ =	sdelay $0x3  }
0x92: {  	_ =	strace s18  }
0x93: {  	s3 =	sld [smem:$0x3FFC];
	_ =	sdelay $0x3  }
0x94: {  	_ =	strace s3  }
0x95: {  	s3 =	sld [smem:$0x3FFD];
	_ =	sdelay $0x3  }
0x96: {  	_ =	strace s3  }
0x97: {  	_ =	strace $0x8FFFFFFF  }
0x98: {  	s19 =	sld [smem:$0x3FDB];
	_ =	sdelay $0x1  }
0x99: {  	s4 =	simm.s32 $_scs_section_size  }
0x9a: {  	s5 =	simm.s32 $_size__tile_overlayer_lowered;
	s6 =	simm.s32 $_tile_overlayer_lowered  }
0x9b: {  	s22 =	simm.s32 $0x1BFF;
	s21 =	sshll.u32 s6, $0x1;
	s3 =	sadd.s32 s4, s19  }
0x9c: {  	s7 =	simm.s32 $0x0;
	s20 =	sshll.u32 s5, $0x1;
	s5 =	sadd.s32 s21, s3  }
0x9d: {  	[timem:s7], [sflag:s22] =	dma.local [hbm:s5], s20  }
0x9e: {  	_ =	swait.ge [sflag:s22], s20  }
0x9f: {  	s4 =	ssub.s32 $0x0, s20;
	[sflag:s22] =	ssyncset.done $0x0  }
0xa0: {  	[sflag:s22] =	ssyncadd.s32 s4;
	_ =	sdelay $0x1  }
0xa1: {  	s23 =	simm.s32 $0x1B8B  }
0xa2: {  	_ =	swait.ge [sflag:s23], $0x1  }
0xa3: {  	[sflag:s23] =	ssyncset.done $0x0  }
0xa4: {  	s25 =	simm.s32 $0x1B8E;
	s24 =	sld [smem:$0x3FFE];
	[sflag:s23] =	ssyncadd.s32 $0xFFFFFFFF  }
0xa5: {  	s26 =	simm.s32 $execute0_lowered;
	[smem:$0x3FD2] =	sst s25  }
0xa6: {  	s5 =	sshll.u32 s26, $0x1;
	_ =	strace $0x80000046;
	[dreg:$0x1] =	wrdreg $0xFFFFFFFF  }
0xa7: {  	s28 =	simm.s32 $_size_execute0_lowered;
	s3 =	sadd.s32 s3, s5;
	[dreg:$0x0] =	wrdreg $0x0  }
0xa8: {  	s5 =	sshll.u32 s28, $0x1;
	[dreg:$0x2] =	wrdreg s3  }
0xa9: {  	[dreg:$0x3] =	wrdreg s5  }
0xaa: {  	[dreg:$0x4] =	wrdreg $0xC0  }
0xab: {  	_ =	task [dreg:s7], $0x5FFFF  }
0xac: {  	[dreg:$0x1] =	wrdreg $0xFFFFFFFF  }
0xad: {  	[dreg:$0x0] =	wrdreg $0x60  }
0xae: {  	[dreg:$0x2] =	wrdreg s24  }
0xaf: {  	[dreg:$0x3] =	wrdreg s2  }
0xb0: {  	[dreg:$0x4] =	wrdreg $0x9CA00  }
0xb1: {  	[dreg:$0x5] =	wrdreg $0x9  }
0xb2: {  	_ =	task.clear_ibuf [dreg:s7], $0x6FFFF;
	_ =	strace $0x90000046  }
0xb3: {  	s29 =	simm.s32 $0x9;
	_ =	strace $0x80000048  }
0xb4: {  	_ =	swait.ge [sflag:s29], $0x1  }
0xb5: {  	[sflag:s29] =	ssyncadd.s32 $0xFFFFFFFF  }
0xb6: {  	_ =	strace $0x90000048  }
0xb7: {  	_ =	sfence  }
0xb8: {  	s30 =	sld [smem:$0x0];
	_ =	sdelay $0x2  }
0xb9: {  	s31 =	sshll.u32 s1, $0xD;
	s1 =	sshrl.u32 s1, $0x2  }
0xba: {  	s3 =	sand.u32 $0x4000, s31;
	s1 =	sadd.s32 s1, s30  }
0xbb: {  	s0 =	sor.u32 s3, s0;
	s1 =	sshll.u32 s1, $0x11  }
0xbc: {  	s0 =	sor.u32 s1, s0  }
0xbd: {  	s0 =	sadd.s32 $0x8F2B, s0  }
0xbe: {  	[sflag:s0] =	ssyncadd.remote.s32 $0x1  }
0xbf: {  	_ =	sfence.sel $0xFFFF  }
0xc0: {  	[dreg:$0x0] =	wrdreg $0xFFFFFFFF;
	(pc) =	sbr.abs _section_cstart, $3  }
0xc1: {  	[dreg:$0x1] =	wrdreg $0xFFFFFFFF  }
0xc2: {  	_ =	task.clear_ibuf [dreg:s7], $0x2FFFF;
	_ =	strace $0x9FFFFFFF  }
0xc3: {  	(tm) =	ssettm $0x7FFFFFFF  }
tec
execute0_lowered:
.L_overlay_start_1:
0x0: {  	(tag) =	ssettag $0x1  }
0x1: {  	s0 =	rddreg [dreg:$0x0]  }
0x2: {  	s3 =	rddreg [dreg:$0x2]  }
0x3: {  	s11 =	stileid.u32;
	s1 =	srdreg.scid  }
0x4: {  	s4 =	simm.s32 $0x0;
	s12 =	simm.s32 $0x880;
	s13 =	simm.s32 $0x180  }
0x5: {  	s14 =	simm.s32 $0x900;
	s15 =	simm.s32 $0x200;
	s16 =	simm.s32 $0x980  }
0x6: {  	s17 =	simm.s32 $0x280;
	s18 =	simm.s32 $0xA00;
	s19 =	simm.s32 $0x300  }
0x7: {  	s20 =	simm.s32 $0xA80;
	s21 =	simm.s32 $0x380;
	[smem:$0x7FF] =	sst s4  }
0x8: {  	s28 =	simm.s32 $0xD00;
	_ =	strace $0x80000047;
	[dreg:$0x8] =	wrdreg s12  }
0x9: {  	s29 =	simm.s32 $0x600;
	s30 =	simm.s32 $0xD80;
	[dreg:$0x9] =	wrdreg s13  }
0xa: {  	s31 =	simm.s32 $0x680;
	s2 =	smul.u32 $0x2800, s11;
	[dreg:$0xa] =	wrdreg s14  }
0xb: {  	s1 =	sand.u32 $0x1, s1;
	s7 =	smul.u32 $0x16380, s11;
	[dreg:$0xb] =	wrdreg s15  }
0xc: {  	s5 =	sadd.s32 $0x15600, s0;
	s8 =	smul.u32 $0x58E00, s11;
	[dreg:$0xc] =	wrdreg s16  }
0xd: {  	p0 =	seq.s32 s1, $0x0;
	s23 =	smul.u32 $0x15F900, s1;
	[dreg:$0xd] =	wrdreg s17  }
0xe: {  	s1 =	ssub.s32 $0x2, s1;
	s12 =	simm.s32 $0x800;
	[dreg:$0xe] =	wrdreg s18  }
0xf: {  	s13 =	simm.s32 $0x1;
	s14 =	simm.s32 $0x2;
	[dreg:$0xf] =	wrdreg s19  }
0x10: {  	s15 =	simm.s32 $0x7D;
	s16 =	simm.s32 $0x1000;
	[dreg:$0x10] =	wrdreg s20  }
0x11: {  	s17 =	simm.s32 $0x5650;
	[dreg:$0x11] =	wrdreg s21;
	s18 =	simm.s32 $0x3  }
0x12: {  	s19 =	simm.s32 $0x5;
	s6 =	sadd.s32 $0x28000, s2;
	s9 =	sshrl.u32 s1, $0x1  }
0x13: {  	s6 =	smov.u32 @p0 s2;
	s10 =	sadd.s32 s7, s23;
	s1 =	ssub.s32 s1, s9  }
0x14: {  	s2 =	sshrl.u32 s23, $0x3;
	p0 =	seq.s32 s11, $0xF;
	s23 =	simm.s32 $0xB00  }
0x15: {  	s6 =	sshrl.u32 s6, $0x3;
	s24 =	sshrl.u32 s10, $0x3;
	s10 =	sadd.s32 $0x14D480, s3  }
0x16: {  	s1 =	smax.u32 s1, $0x1;
	[dreg:$0x12] =	wrdreg s23;
	s6 =	sadd.s32 s6, s0  }
0x17: {  	s0 =	sadd.s32 $0x41600, s0;
	[dreg:$0x18] =	wrdreg s1;
	s22 =	sshrl.u32 @p0 s10, $0x3  }
0x18: {  	s20 =	simm.s32 $0x4;
	s9 =	sadd.s32 s0, s24;
	[dreg:$0x19] =	wrdreg s22  }
0x19: {  	s8 =	sshrl.u32 s8, $0x2;
	s25 =	sadd.s32 $0xB600, s6;
	[dreg:$0x16] =	wrdreg s9  }
0x1a: {  	s8 =	sadd.s32 s8, s3;
	s26 =	sadd.s32 $0x1600, s6;
	[dreg:$0x4] =	wrdreg s25  }
0x1b: {  	s1 =	sshll.u32 @!p0 s11, $0x6;
	s6 =	simm.s32 $0x80;
	[dreg:$0x5] =	wrdreg s26  }
0x1c: {  	s11 =	sor.u32 @!p0 $0x1C07, s1;
	s1 =	sshrl.u32 @!p0 s8, $0x3;
	[dreg:$0x6] =	wrdreg s6  }
0x1d: {  	s21 =	simm.s32 $0x6;
	s24 =	simm.s32 $0x400;
	[dreg:$0x1b] =	wrdreg s1  }
0x1e: {  	s7 =	sadd.s32 s7, s3;
	s0 =	sadd.s32 s0, s2;
	[dreg:$0x13] =	wrdreg s24  }
0x1f: {  	s23 =	simm.s32 $0x500;
	s0 =	sadd.s32 $0x29A90, s0;
	[dreg:$0x1a] =	wrdreg s11  }
0x20: {  	s2 =	simm.s32 $0xE80;
	s9 =	simm.s32 $0x100;
	[dreg:$0x17] =	wrdreg s0  }
0x21: {  	s8 =	simm.s32 $0xF80;
	s25 =	simm.s32 $0xB80;
	[dreg:$0x7] =	wrdreg s9  }
0x22: {  	s26 =	simm.s32 $0x480;
	s24 =	simm.s32 $0xC80;
	[dreg:$0x14] =	wrdreg s25  }
0x23: {  	s1 =	simm.s32 $0xE00;
	s6 =	simm.s32 $0x780;
	[dreg:$0x15] =	wrdreg s26  }
0x24: {  	s0 =	sshrl.u32 @!p0 s7, $0x3;
	s26 =	simm.s32 $0x580;
	s7 =	simm.s32 $0xF00  }
0x25: {  	s25 =	simm.s32 $0x0;
	[dreg:$0x1c] =	wrdreg s0;
	s0 =	simm.s32 $0x700  }
.LBB2_1:
0x26: {  	[dreg:$0x1d] =	wrdreg s25  }
0x27: {  	s9 =	simm.s32 @p0 $0x1FC7;
	s10 =	rddreg [dreg:$0x1]  }
0x28: {  	[spmem:s22], [sflag:s9] =	dma.local @p0 [hbm:s10], $0x2490  }
0x29: {  	s9 =	simm.s32 @p0 $0x7  }
0x2a: {  	_ =	swait.ge @p0 [sflag:s9], $0x2490  }
0x2b: {  	[sflag:s9] =	ssyncset.done @p0 $0x0  }
0x2c: {  	[sflag:s9] =	ssyncadd.s32 @p0 $0xFFFFDB70;
	s9 =	rddreg [dreg:$0x1b]  }
0x2d: {  	[spmem:s9], [sflag:s11] =	dma.local @!p0 [hbm:s10], $0x2C70  }
0x2e: {  	s9 =	simm.s32 @!p0 $0x7  }
0x2f: {  	_ =	swait.ge @!p0 [sflag:s9], $0x2C70  }
0x30: {  	[sflag:s9] =	ssyncset.done @!p0 $0x0  }
0x31: {  	[sflag:s9] =	ssyncadd.s32 @!p0 $0xFFFFD390  }
0x32: {  	[bflag:$0x0] =	sbarrier.arrive $0xFFFF  }
0x33: {  	s10 =	rddreg [dreg:$0x5]  }
0x34: {  	s11 =	rddreg [dreg:$0x4];
	s9 =	sadd.s32 $0x0, s10  }
0x35: {  	[tilespmem:s4], [sflag:$0x1] =	stream.linear.gather [hbm4b:s9+s4], $0x800, $0x38;
	[tilespmem:$0x1FC30] =	vst v63  }
0x36: {  	s22 =	sadd.s32 $0x0, s11  }
0x37: {  	[tilespmem:s12], [sflag:$0x2] =	stream.linear.gather [hbm4b:s22+s4], $0x800, $0x38;
	[tilespmem:$0x1FC30] =	vst v63  }
0x38: {  	_ =	swait.ge [sflag:s13], $0x800  }
0x39: {  	[sflag:s13] =	ssyncset.done $0x0  }
0x3a: {  	[sflag:s13] =	ssyncadd.s32 $0xFFFFF800  }
0x3b: {  	_ =	swait.ge [sflag:s14], $0x800  }
0x3c: {  	[sflag:s14] =	ssyncset.done $0x0  }
0x3d: {  	[sflag:s14] =	ssyncadd.s32 $0xFFFFF800  }
0x3e: {  	[tilespmem:s16], [sflag:$0x3] =	stream.indirect.gather [hbm4b:s5+s15], $0x90, s4, s15, $0xb8;
	[tilespmem:$0x1FC30] =	vst v63  }
0x3f: {  	s25 =	rddreg [dreg:$0x6]  }
0x40: {  	[tilespmem:s17], [sflag:$0x4] =	stream.indirect.gather [hbm4b:s5+s15], $0x90, s25, s15, $0xb8;
	[tilespmem:$0x1FC30] =	vst v63  }
0x41: {  	_ =	swait.ge [sflag:s18], $0x4650  }
0x42: {  	[sflag:s18] =	ssyncset.done $0x0  }
0x43: {  	[sflag:s18] =	ssyncadd.s32 $0xFFFFB9B0  }
0x44: {  	[spmem:s3] =	stream.indirect.scatter.add.f32 [tilespmem:s16], [sflag:$0x5], $0x90, s12, s15, $0xb8;
	[tilespmem:$0x1FC30] =	vst v63  }
0x45: {  	_ =	swait.ge [sflag:s19], $0x4650  }
0x46: {  	[sflag:s19] =	ssyncset.done $0x0  }
0x47: {  	s10 =	rddreg [dreg:$0x7];
	[sflag:s19] =	ssyncadd.s32 $0xFFFFB9B0  }
0x48: {  	[tilespmem:s16], [sflag:$0x3] =	stream.indirect.gather [hbm4b:s5+s15], $0x90, s10, s15, $0xb8;
	[tilespmem:$0x1FC30] =	vst v63  }
0x49: {  	_ =	swait.ge [sflag:s20], $0x4650  }
0x4a: {  	[sflag:s20] =	ssyncset.done $0x0  }
0x4b: {  	s11 =	rddreg [dreg:$0x8];
	[sflag:s20] =	ssyncadd.s32 $0xFFFFB9B0  }
0x4c: {  	[spmem:s3] =	stream.indirect.scatter.add.f32 [tilespmem:s17], [sflag:$0x6], $0x90, s11, s15, $0xb8;
	[tilespmem:$0x1FC30] =	vst v63  }
0x4d: {  	_ =	swait.ge [sflag:s21], $0x4650  }
0x4e: {  	[sflag:s21] =	ssyncset.done $0x0  }
0x4f: {  	s22 =	rddreg [dreg:$0x9];
	[sflag:s21] =	ssyncadd.s32 $0xFFFFB9B0  }
0x50: {  	[tilespmem:s17], [sflag:$0x4] =	stream.indirect.gather [hbm4b:s5+s15], $0x90, s22, s15, $0xb8;
	[tilespmem:$0x1FC30] =	vst v63  }
0x51: {  	_ =	swait.ge [sflag:s18], $0x4650  }
0x52: {  	[sflag:s18] =	ssyncset.done $0x0  }
0x53: {  	s25 =	rddreg [dreg:$0xa];
	[sflag:s18] =	ssyncadd.s32 $0xFFFFB9B0  }
0x54: {  	[spmem:s3] =	stream.indirect.scatter.add.f32 [tilespmem:s16], [sflag:$0x5], $0x90, s25, s15, $0xb8;
	[tilespmem:$0x1FC30] =	vst v63  }
0x55: {  	_ =	swait.ge [sflag:s19], $0x4650  }
0x56: {  	[sflag:s19] =	ssyncset.done $0x0  }
0x57: {  	s10 =	rddreg [dreg:$0xb];
	[sflag:s19] =	ssyncadd.s32 $0xFFFFB9B0  }
0x58: {  	[tilespmem:s16], [sflag:$0x3] =	stream.indirect.gather [hbm4b:s5+s15], $0x90, s10, s15, $0xb8;
	[tilespmem:$0x1FC30] =	vst v63  }
0x59: {  	_ =	swait.ge [sflag:s20], $0x4650  }
0x5a: {  	[sflag:s20] =	ssyncset.done $0x0  }
0x5b: {  	s11 =	rddreg [dreg:$0xc];
	[sflag:s20] =	ssyncadd.s32 $0xFFFFB9B0  }
0x5c: {  	[spmem:s3] =	stream.indirect.scatter.add.f32 [tilespmem:s17], [sflag:$0x6], $0x90, s11, s15, $0xb8;
	[tilespmem:$0x1FC30] =	vst v63  }
0x5d: {  	_ =	swait.ge [sflag:s21], $0x4650  }
0x5e: {  	[sflag:s21] =	ssyncset.done $0x0  }
0x5f: {  	s22 =	rddreg [dreg:$0xd];
	[sflag:s21] =	ssyncadd.s32 $0xFFFFB9B0  }
0x60: {  	[tilespmem:s17], [sflag:$0x4] =	stream.indirect.gather [hbm4b:s5+s15], $0x90, s22, s15, $0xb8;
	[tilespmem:$0x1FC30] =	vst v63  }
0x61: {  	_ =	swait.ge [sflag:s18], $0x4650  }
0x62: {  	[sflag:s18] =	ssyncset.done $0x0  }
0x63: {  	s25 =	rddreg [dreg:$0xe];
	[sflag:s18] =	ssyncadd.s32 $0xFFFFB9B0  }
0x64: {  	[spmem:s3] =	stream.indirect.scatter.add.f32 [tilespmem:s16], [sflag:$0x5], $0x90, s25, s15, $0xb8;
	[tilespmem:$0x1FC30] =	vst v63  }
0x65: {  	_ =	swait.ge [sflag:s19], $0x4650  }
0x66: {  	[sflag:s19] =	ssyncset.done $0x0  }
0x67: {  	s10 =	rddreg [dreg:$0xf];
	[sflag:s19] =	ssyncadd.s32 $0xFFFFB9B0  }
0x68: {  	[tilespmem:s16], [sflag:$0x3] =	stream.indirect.gather [hbm4b:s5+s15], $0x90, s10, s15, $0xb8;
	[tilespmem:$0x1FC30] =	vst v63  }
0x69: {  	_ =	swait.ge [sflag:s20], $0x4650  }
0x6a: {  	[sflag:s20] =	ssyncset.done $0x0  }
0x6b: {  	s11 =	rddreg [dreg:$0x10];
	[sflag:s20] =	ssyncadd.s32 $0xFFFFB9B0  }
0x6c: {  	[spmem:s3] =	stream.indirect.scatter.add.f32 [tilespmem:s17], [sflag:$0x6], $0x90, s11, s15, $0xb8;
	[tilespmem:$0x1FC30] =	vst v63  }
0x6d: {  	_ =	swait.ge [sflag:s21], $0x4650  }
0x6e: {  	[sflag:s21] =	ssyncset.done $0x0  }
0x6f: {  	s22 =	rddreg [dreg:$0x11];
	[sflag:s21] =	ssyncadd.s32 $0xFFFFB9B0  }
0x70: {  	[tilespmem:s17], [sflag:$0x4] =	stream.indirect.gather [hbm4b:s5+s15], $0x90, s22, s15, $0xb8;
	[tilespmem:$0x1FC30] =	vst v63  }
0x71: {  	_ =	swait.ge [sflag:s18], $0x4650  }
0x72: {  	[sflag:s18] =	ssyncset.done $0x0  }
0x73: {  	s25 =	rddreg [dreg:$0x12];
	[sflag:s18] =	ssyncadd.s32 $0xFFFFB9B0  }
0x74: {  	[spmem:s3] =	stream.indirect.scatter.add.f32 [tilespmem:s16], [sflag:$0x5], $0x90, s25, s15, $0xb8;
	[tilespmem:$0x1FC30] =	vst v63  }
0x75: {  	_ =	swait.ge [sflag:s19], $0x4650  }
0x76: {  	[sflag:s19] =	ssyncset.done $0x0  }
0x77: {  	s10 =	rddreg [dreg:$0x13];
	[sflag:s19] =	ssyncadd.s32 $0xFFFFB9B0  }
0x78: {  	[tilespmem:s16], [sflag:$0x3] =	stream.indirect.gather [hbm4b:s5+s15], $0x90, s10, s15, $0xb8;
	[tilespmem:$0x1FC30] =	vst v63  }
0x79: {  	_ =	swait.ge [sflag:s20], $0x4650  }
0x7a: {  	[sflag:s20] =	ssyncset.done $0x0  }
0x7b: {  	s11 =	rddreg [dreg:$0x14];
	[sflag:s20] =	ssyncadd.s32 $0xFFFFB9B0  }
0x7c: {  	[spmem:s3] =	stream.indirect.scatter.add.f32 [tilespmem:s17], [sflag:$0x6], $0x90, s11, s15, $0xb8;
	[tilespmem:$0x1FC30] =	vst v63  }
0x7d: {  	_ =	swait.ge [sflag:s21], $0x4650  }
0x7e: {  	[sflag:s21] =	ssyncset.done $0x0  }
0x7f: {  	s22 =	rddreg [dreg:$0x15];
	[sflag:s21] =	ssyncadd.s32 $0xFFFFB9B0  }
0x80: {  	[tilespmem:s17], [sflag:$0x4] =	stream.indirect.gather [hbm4b:s5+s15], $0x90, s22, s15, $0xb8;
	[tilespmem:$0x1FC30] =	vst v63  }
0x81: {  	_ =	swait.ge [sflag:s18], $0x4650  }
0x82: {  	[sflag:s18] =	ssyncset.done $0x0  }
0x83: {  	s25 =	simm.s32 $0xC00;
	[sflag:s18] =	ssyncadd.s32 $0xFFFFB9B0  }
0x84: {  	[spmem:s3] =	stream.indirect.scatter.add.f32 [tilespmem:s16], [sflag:$0x5], $0x90, s25, s15, $0xb8;
	[tilespmem:$0x1FC30] =	vst v63  }
0x85: {  	_ =	swait.ge [sflag:s19], $0x4650  }
0x86: {  	[sflag:s19] =	ssyncset.done $0x0  }
0x87: {  	[sflag:s19] =	ssyncadd.s32 $0xFFFFB9B0  }
0x88: {  	[tilespmem:s16], [sflag:$0x3] =	stream.indirect.gather [hbm4b:s5+s15], $0x90, s23, s15, $0xb8;
	[tilespmem:$0x1FC30] =	vst v63  }
0x89: {  	_ =	swait.ge [sflag:s20], $0x4650  }
0x8a: {  	[sflag:s20] =	ssyncset.done $0x0  }
0x8b: {  	[sflag:s20] =	ssyncadd.s32 $0xFFFFB9B0  }
0x8c: {  	[spmem:s3] =	stream.indirect.scatter.add.f32 [tilespmem:s17], [sflag:$0x6], $0x90, s24, s15, $0xb8;
	[tilespmem:$0x1FC30] =	vst v63  }
0x8d: {  	_ =	swait.ge [sflag:s21], $0x4650  }
0x8e: {  	[sflag:s21] =	ssyncset.done $0x0  }
0x8f: {  	[sflag:s21] =	ssyncadd.s32 $0xFFFFB9B0  }
0x90: {  	[tilespmem:s17], [sflag:$0x4] =	stream.indirect.gather [hbm4b:s5+s15], $0x90, s26, s15, $0xb8;
	[tilespmem:$0x1FC30] =	vst v63  }
0x91: {  	_ =	swait.ge [sflag:s18], $0x4650  }
0x92: {  	[sflag:s18] =	ssyncset.done $0x0  }
0x93: {  	[sflag:s18] =	ssyncadd.s32 $0xFFFFB9B0  }
0x94: {  	[spmem:s3] =	stream.indirect.scatter.add.f32 [tilespmem:s16], [sflag:$0x5], $0x90, s28, s15, $0xb8;
	[tilespmem:$0x1FC30] =	vst v63  }
0x95: {  	_ =	swait.ge [sflag:s19], $0x4650  }
0x96: {  	[sflag:s19] =	ssyncset.done $0x0  }
0x97: {  	[sflag:s19] =	ssyncadd.s32 $0xFFFFB9B0  }
0x98: {  	[tilespmem:s16], [sflag:$0x3] =	stream.indirect.gather [hbm4b:s5+s15], $0x90, s29, s15, $0xb8;
	[tilespmem:$0x1FC30] =	vst v63  }
0x99: {  	_ =	swait.ge [sflag:s20], $0x4650  }
0x9a: {  	[sflag:s20] =	ssyncset.done $0x0  }
0x9b: {  	[sflag:s20] =	ssyncadd.s32 $0xFFFFB9B0  }
0x9c: {  	[spmem:s3] =	stream.indirect.scatter.add.f32 [tilespmem:s17], [sflag:$0x6], $0x90, s30, s15, $0xb8;
	[tilespmem:$0x1FC30] =	vst v63  }
0x9d: {  	_ =	swait.ge [sflag:s21], $0x4650  }
0x9e: {  	[sflag:s21] =	ssyncset.done $0x0  }
0x9f: {  	[sflag:s21] =	ssyncadd.s32 $0xFFFFB9B0  }
0xa0: {  	[tilespmem:s17], [sflag:$0x4] =	stream.indirect.gather [hbm4b:s5+s15], $0x90, s31, s15, $0xb8;
	[tilespmem:$0x1FC30] =	vst v63  }
0xa1: {  	_ =	swait.ge [sflag:s18], $0x4650  }
0xa2: {  	[sflag:s18] =	ssyncset.done $0x0  }
0xa3: {  	[sflag:s18] =	ssyncadd.s32 $0xFFFFB9B0  }
0xa4: {  	[spmem:s3] =	stream.indirect.scatter.add.f32 [tilespmem:s16], [sflag:$0x5], $0x90, s1, s15, $0xb8;
	[tilespmem:$0x1FC30] =	vst v63  }
0xa5: {  	_ =	swait.ge [sflag:s19], $0x4650  }
0xa6: {  	[sflag:s19] =	ssyncset.done $0x0  }
0xa7: {  	[sflag:s19] =	ssyncadd.s32 $0xFFFFB9B0  }
0xa8: {  	[tilespmem:s16], [sflag:$0x3] =	stream.indirect.gather [hbm4b:s5+s15], $0x90, s0, s15, $0xb8;
	[tilespmem:$0x1FC30] =	vst v63  }
0xa9: {  	_ =	swait.ge [sflag:s20], $0x4650  }
0xaa: {  	[sflag:s20] =	ssyncset.done $0x0  }
0xab: {  	[sflag:s20] =	ssyncadd.s32 $0xFFFFB9B0  }
0xac: {  	[spmem:s3] =	stream.indirect.scatter.add.f32 [tilespmem:s17], [sflag:$0x6], $0x90, s2, s15, $0xb8;
	[tilespmem:$0x1FC30] =	vst v63  }
0xad: {  	_ =	swait.ge [sflag:s21], $0x4650  }
0xae: {  	[sflag:s21] =	ssyncset.done $0x0  }
0xaf: {  	[sflag:s21] =	ssyncadd.s32 $0xFFFFB9B0  }
0xb0: {  	[tilespmem:s17], [sflag:$0x4] =	stream.indirect.gather [hbm4b:s5+s15], $0x90, s6, s15, $0xb8;
	[tilespmem:$0x1FC30] =	vst v63  }
0xb1: {  	_ =	swait.ge [sflag:s18], $0x4650  }
0xb2: {  	[sflag:s18] =	ssyncset.done $0x0  }
0xb3: {  	[sflag:s18] =	ssyncadd.s32 $0xFFFFB9B0  }
0xb4: {  	[spmem:s3] =	stream.indirect.scatter.add.f32 [tilespmem:s16], [sflag:$0x5], $0x90, s7, s15, $0xb8;
	[tilespmem:$0x1FC30] =	vst v63  }
0xb5: {  	_ =	swait.ge [sflag:s19], $0x4650  }
0xb6: {  	[sflag:s19] =	ssyncset.done $0x0  }
0xb7: {  	[sflag:s19] =	ssyncadd.s32 $0xFFFFB9B0  }
0xb8: {  	_ =	swait.ge [sflag:s20], $0x4650  }
0xb9: {  	[sflag:s20] =	ssyncset.done $0x0  }
0xba: {  	[sflag:s20] =	ssyncadd.s32 $0xFFFFB9B0  }
0xbb: {  	[spmem:s3] =	stream.indirect.scatter.add.f32 [tilespmem:s17], [sflag:$0x6], $0x90, s8, s15, $0xb8;
	[tilespmem:$0x1FC30] =	vst v63  }
0xbc: {  	s9 =	simm.s32 $0x200;
	_ =	swait.ge [sflag:s21], $0x4650  }
0xbd: {  	s25 =	simm.s32 $0x100;
	s10 =	rddreg [dreg:$0x5];
	[sflag:s21] =	ssyncset.done $0x0  }
.LBB2_2:
0xbe: {  	[sflag:s21] =	ssyncadd.s32 $0xFFFFB9B0;
	s22 =	rddreg [dreg:$0x4];
	s10 =	sadd.s32 s25, s10  }
0xbf: {  	[tilespmem:s4], [sflag:$0x1] =	stream.linear.gather [hbm4b:s10+s4], $0x800, $0x38;
	[tilespmem:$0x1FC30] =	vst v63  }
0xc0: {  	s22 =	sadd.s32 s25, s22  }
0xc1: {  	[tilespmem:s12], [sflag:$0x2] =	stream.linear.gather [hbm4b:s22+s4], $0x800, $0x38;
	[tilespmem:$0x1FC30] =	vst v63  }
0xc2: {  	_ =	swait.ge [sflag:s13], $0x800  }
0xc3: {  	[sflag:s13] =	ssyncset.done $0x0  }
0xc4: {  	[sflag:s13] =	ssyncadd.s32 $0xFFFFF800  }
0xc5: {  	_ =	swait.ge [sflag:s14], $0x800  }
0xc6: {  	[sflag:s14] =	ssyncset.done $0x0  }
0xc7: {  	[sflag:s14] =	ssyncadd.s32 $0xFFFFF800  }
0xc8: {  	[tilespmem:s16], [sflag:$0x3] =	stream.indirect.gather [hbm4b:s5+s15], $0x90, s4, s15, $0xb8;
	[tilespmem:$0x1FC30] =	vst v63  }
0xc9: {  	s22 =	rddreg [dreg:$0x6]  }
0xca: {  	[tilespmem:s17], [sflag:$0x4] =	stream.indirect.gather [hbm4b:s5+s15], $0x90, s22, s15, $0xb8;
	[tilespmem:$0x1FC30] =	vst v63  }
0xcb: {  	_ =	swait.ge [sflag:s18], $0x4650  }
0xcc: {  	[sflag:s18] =	ssyncset.done $0x0  }
0xcd: {  	[sflag:s18] =	ssyncadd.s32 $0xFFFFB9B0  }
0xce: {  	[spmem:s3] =	stream.indirect.scatter.add.f32 [tilespmem:s16], [sflag:$0x5], $0x90, s12, s15, $0xb8;
	[tilespmem:$0x1FC30] =	vst v63  }
0xcf: {  	_ =	swait.ge [sflag:s19], $0x4650  }
0xd0: {  	s11 =	smov.u32 s9;
	[sflag:s19] =	ssyncset.done $0x0  }
0xd1: {  	s25 =	smov.u32 s11;
	s11 =	rddreg [dreg:$0x7];
	[sflag:s19] =	ssyncadd.s32 $0xFFFFB9B0  }
0xd2: {  	[tilespmem:s16], [sflag:$0x3] =	stream.indirect.gather [hbm4b:s5+s15], $0x90, s11, s15, $0xb8;
	[tilespmem:$0x1FC30] =	vst v63  }
0xd3: {  	_ =	swait.ge [sflag:s20], $0x4650  }
0xd4: {  	[sflag:s20] =	ssyncset.done $0x0  }
0xd5: {  	s22 =	rddreg [dreg:$0x8];
	[sflag:s20] =	ssyncadd.s32 $0xFFFFB9B0  }
0xd6: {  	[spmem:s3] =	stream.indirect.scatter.add.f32 [tilespmem:s17], [sflag:$0x6], $0x90, s22, s15, $0xb8;
	[tilespmem:$0x1FC30] =	vst v63  }
0xd7: {  	_ =	swait.ge [sflag:s21], $0x4650  }
0xd8: {  	[sflag:s21] =	ssyncset.done $0x0  }
0xd9: {  	s11 =	rddreg [dreg:$0x9];
	[sflag:s21] =	ssyncadd.s32 $0xFFFFB9B0  }
0xda: {  	[tilespmem:s17], [sflag:$0x4] =	stream.indirect.gather [hbm4b:s5+s15], $0x90, s11, s15, $0xb8;
	[tilespmem:$0x1FC30] =	vst v63  }
0xdb: {  	_ =	swait.ge [sflag:s18], $0x4650  }
0xdc: {  	[sflag:s18] =	ssyncset.done $0x0  }
0xdd: {  	s22 =	rddreg [dreg:$0xa];
	[sflag:s18] =	ssyncadd.s32 $0xFFFFB9B0  }
0xde: {  	[spmem:s3] =	stream.indirect.scatter.add.f32 [tilespmem:s16], [sflag:$0x5], $0x90, s22, s15, $0xb8;
	[tilespmem:$0x1FC30] =	vst v63  }
0xdf: {  	_ =	swait.ge [sflag:s19], $0x4650  }
0xe0: {  	[sflag:s19] =	ssyncset.done $0x0  }
0xe1: {  	s11 =	rddreg [dreg:$0xb];
	[sflag:s19] =	ssyncadd.s32 $0xFFFFB9B0  }
0xe2: {  	[tilespmem:s16], [sflag:$0x3] =	stream.indirect.gather [hbm4b:s5+s15], $0x90, s11, s15, $0xb8;
	[tilespmem:$0x1FC30] =	vst v63  }
0xe3: {  	_ =	swait.ge [sflag:s20], $0x4650  }
0xe4: {  	[sflag:s20] =	ssyncset.done $0x0  }
0xe5: {  	s22 =	rddreg [dreg:$0xc];
	[sflag:s20] =	ssyncadd.s32 $0xFFFFB9B0  }
0xe6: {  	[spmem:s3] =	stream.indirect.scatter.add.f32 [tilespmem:s17], [sflag:$0x6], $0x90, s22, s15, $0xb8;
	[tilespmem:$0x1FC30] =	vst v63  }
0xe7: {  	_ =	swait.ge [sflag:s21], $0x4650  }
0xe8: {  	[sflag:s21] =	ssyncset.done $0x0  }
0xe9: {  	s11 =	rddreg [dreg:$0xd];
	[sflag:s21] =	ssyncadd.s32 $0xFFFFB9B0  }
0xea: {  	[tilespmem:s17], [sflag:$0x4] =	stream.indirect.gather [hbm4b:s5+s15], $0x90, s11, s15, $0xb8;
	[tilespmem:$0x1FC30] =	vst v63  }
0xeb: {  	_ =	swait.ge [sflag:s18], $0x4650  }
0xec: {  	[sflag:s18] =	ssyncset.done $0x0  }
0xed: {  	s22 =	rddreg [dreg:$0xe];
	[sflag:s18] =	ssyncadd.s32 $0xFFFFB9B0  }
0xee: {  	[spmem:s3] =	stream.indirect.scatter.add.f32 [tilespmem:s16], [sflag:$0x5], $0x90, s22, s15, $0xb8;
	[tilespmem:$0x1FC30] =	vst v63  }
0xef: {  	_ =	swait.ge [sflag:s19], $0x4650  }
0xf0: {  	[sflag:s19] =	ssyncset.done $0x0  }
0xf1: {  	s11 =	rddreg [dreg:$0xf];
	[sflag:s19] =	ssyncadd.s32 $0xFFFFB9B0  }
0xf2: {  	[tilespmem:s16], [sflag:$0x3] =	stream.indirect.gather [hbm4b:s5+s15], $0x90, s11, s15, $0xb8;
	[tilespmem:$0x1FC30] =	vst v63  }
0xf3: {  	_ =	swait.ge [sflag:s20], $0x4650  }
0xf4: {  	[sflag:s20] =	ssyncset.done $0x0  }
0xf5: {  	s22 =	rddreg [dreg:$0x10];
	[sflag:s20] =	ssyncadd.s32 $0xFFFFB9B0  }
0xf6: {  	[spmem:s3] =	stream.indirect.scatter.add.f32 [tilespmem:s17], [sflag:$0x6], $0x90, s22, s15, $0xb8;
	[tilespmem:$0x1FC30] =	vst v63  }
0xf7: {  	_ =	swait.ge [sflag:s21], $0x4650  }
0xf8: {  	[sflag:s21] =	ssyncset.done $0x0  }
0xf9: {  	s11 =	rddreg [dreg:$0x11];
	[sflag:s21] =	ssyncadd.s32 $0xFFFFB9B0  }
0xfa: {  	[tilespmem:s17], [sflag:$0x4] =	stream.indirect.gather [hbm4b:s5+s15], $0x90, s11, s15, $0xb8;
	[tilespmem:$0x1FC30] =	vst v63  }
0xfb: {  	_ =	swait.ge [sflag:s18], $0x4650  }
0xfc: {  	[sflag:s18] =	ssyncset.done $0x0  }
0xfd: {  	s22 =	rddreg [dreg:$0x12];
	[sflag:s18] =	ssyncadd.s32 $0xFFFFB9B0  }
0xfe: {  	[spmem:s3] =	stream.indirect.scatter.add.f32 [tilespmem:s16], [sflag:$0x5], $0x90, s22, s15, $0xb8;
	[tilespmem:$0x1FC30] =	vst v63  }
0xff: {  	_ =	swait.ge [sflag:s19], $0x4650  }
0x100: {  	[sflag:s19] =	ssyncset.done $0x0  }
0x101: {  	s11 =	rddreg [dreg:$0x13];
	[sflag:s19] =	ssyncadd.s32 $0xFFFFB9B0  }
0x102: {  	[tilespmem:s16], [sflag:$0x3] =	stream.indirect.gather [hbm4b:s5+s15], $0x90, s11, s15, $0xb8;
	[tilespmem:$0x1FC30] =	vst v63  }
0x103: {  	_ =	swait.ge [sflag:s20], $0x4650  }
0x104: {  	[sflag:s20] =	ssyncset.done $0x0  }
0x105: {  	s22 =	rddreg [dreg:$0x14];
	[sflag:s20] =	ssyncadd.s32 $0xFFFFB9B0  }
0x106: {  	[spmem:s3] =	stream.indirect.scatter.add.f32 [tilespmem:s17], [sflag:$0x6], $0x90, s22, s15, $0xb8;
	[tilespmem:$0x1FC30] =	vst v63  }
0x107: {  	_ =	swait.ge [sflag:s21], $0x4650  }
0x108: {  	[sflag:s21] =	ssyncset.done $0x0  }
0x109: {  	s11 =	rddreg [dreg:$0x15];
	[sflag:s21] =	ssyncadd.s32 $0xFFFFB9B0  }
0x10a: {  	[tilespmem:s17], [sflag:$0x4] =	stream.indirect.gather [hbm4b:s5+s15], $0x90, s11, s15, $0xb8;
	[tilespmem:$0x1FC30] =	vst v63  }
0x10b: {  	_ =	swait.ge [sflag:s18], $0x4650  }
0x10c: {  	[sflag:s18] =	ssyncset.done $0x0  }
0x10d: {  	s22 =	simm.s32 $0xC00;
	[sflag:s18] =	ssyncadd.s32 $0xFFFFB9B0  }
0x10e: {  	[spmem:s3] =	stream.indirect.scatter.add.f32 [tilespmem:s16], [sflag:$0x5], $0x90, s22, s15, $0xb8;
	[tilespmem:$0x1FC30] =	vst v63  }
0x10f: {  	_ =	swait.ge [sflag:s19], $0x4650  }
0x110: {  	[sflag:s19] =	ssyncset.done $0x0  }
0x111: {  	[sflag:s19] =	ssyncadd.s32 $0xFFFFB9B0  }
0x112: {  	[tilespmem:s16], [sflag:$0x3] =	stream.indirect.gather [hbm4b:s5+s15], $0x90, s23, s15, $0xb8;
	[tilespmem:$0x1FC30] =	vst v63  }
0x113: {  	_ =	swait.ge [sflag:s20], $0x4650  }
0x114: {  	[sflag:s20] =	ssyncset.done $0x0  }
0x115: {  	[sflag:s20] =	ssyncadd.s32 $0xFFFFB9B0  }
0x116: {  	[spmem:s3] =	stream.indirect.scatter.add.f32 [tilespmem:s17], [sflag:$0x6], $0x90, s24, s15, $0xb8;
	[tilespmem:$0x1FC30] =	vst v63  }
0x117: {  	_ =	swait.ge [sflag:s21], $0x4650  }
0x118: {  	[sflag:s21] =	ssyncset.done $0x0  }
0x119: {  	[sflag:s21] =	ssyncadd.s32 $0xFFFFB9B0  }
0x11a: {  	[tilespmem:s17], [sflag:$0x4] =	stream.indirect.gather [hbm4b:s5+s15], $0x90, s26, s15, $0xb8;
	[tilespmem:$0x1FC30] =	vst v63  }
0x11b: {  	_ =	swait.ge [sflag:s18], $0x4650  }
0x11c: {  	[sflag:s18] =	ssyncset.done $0x0  }
0x11d: {  	[sflag:s18] =	ssyncadd.s32 $0xFFFFB9B0  }
0x11e: {  	[spmem:s3] =	stream.indirect.scatter.add.f32 [tilespmem:s16], [sflag:$0x5], $0x90, s28, s15, $0xb8;
	[tilespmem:$0x1FC30] =	vst v63  }
0x11f: {  	_ =	swait.ge [sflag:s19], $0x4650  }
0x120: {  	[sflag:s19] =	ssyncset.done $0x0  }
0x121: {  	[sflag:s19] =	ssyncadd.s32 $0xFFFFB9B0  }
0x122: {  	[tilespmem:s16], [sflag:$0x3] =	stream.indirect.gather [hbm4b:s5+s15], $0x90, s29, s15, $0xb8;
	[tilespmem:$0x1FC30] =	vst v63  }
0x123: {  	_ =	swait.ge [sflag:s20], $0x4650  }
0x124: {  	[sflag:s20] =	ssyncset.done $0x0  }
0x125: {  	[sflag:s20] =	ssyncadd.s32 $0xFFFFB9B0  }
0x126: {  	[spmem:s3] =	stream.indirect.scatter.add.f32 [tilespmem:s17], [sflag:$0x6], $0x90, s30, s15, $0xb8;
	[tilespmem:$0x1FC30] =	vst v63  }
0x127: {  	_ =	swait.ge [sflag:s21], $0x4650  }
0x128: {  	[sflag:s21] =	ssyncset.done $0x0  }
0x129: {  	[sflag:s21] =	ssyncadd.s32 $0xFFFFB9B0  }
0x12a: {  	[tilespmem:s17], [sflag:$0x4] =	stream.indirect.gather [hbm4b:s5+s15], $0x90, s31, s15, $0xb8;
	[tilespmem:$0x1FC30] =	vst v63  }
0x12b: {  	_ =	swait.ge [sflag:s18], $0x4650  }
0x12c: {  	[sflag:s18] =	ssyncset.done $0x0  }
0x12d: {  	[sflag:s18] =	ssyncadd.s32 $0xFFFFB9B0  }
0x12e: {  	[spmem:s3] =	stream.indirect.scatter.add.f32 [tilespmem:s16], [sflag:$0x5], $0x90, s1, s15, $0xb8;
	[tilespmem:$0x1FC30] =	vst v63  }
0x12f: {  	_ =	swait.ge [sflag:s19], $0x4650  }
0x130: {  	[sflag:s19] =	ssyncset.done $0x0  }
0x131: {  	[sflag:s19] =	ssyncadd.s32 $0xFFFFB9B0  }
0x132: {  	[tilespmem:s16], [sflag:$0x3] =	stream.indirect.gather [hbm4b:s5+s15], $0x90, s0, s15, $0xb8;
	[tilespmem:$0x1FC30] =	vst v63  }
0x133: {  	_ =	swait.ge [sflag:s20], $0x4650  }
0x134: {  	[sflag:s20] =	ssyncset.done $0x0  }
0x135: {  	[sflag:s20] =	ssyncadd.s32 $0xFFFFB9B0  }
0x136: {  	[spmem:s3] =	stream.indirect.scatter.add.f32 [tilespmem:s17], [sflag:$0x6], $0x90, s2, s15, $0xb8;
	[tilespmem:$0x1FC30] =	vst v63  }
0x137: {  	_ =	swait.ge [sflag:s21], $0x4650  }
0x138: {  	[sflag:s21] =	ssyncset.done $0x0  }
0x139: {  	[sflag:s21] =	ssyncadd.s32 $0xFFFFB9B0  }
0x13a: {  	[tilespmem:s17], [sflag:$0x4] =	stream.indirect.gather [hbm4b:s5+s15], $0x90, s6, s15, $0xb8;
	[tilespmem:$0x1FC30] =	vst v63  }
0x13b: {  	_ =	swait.ge [sflag:s18], $0x4650  }
0x13c: {  	[sflag:s18] =	ssyncset.done $0x0  }
0x13d: {  	[sflag:s18] =	ssyncadd.s32 $0xFFFFB9B0  }
0x13e: {  	[spmem:s3] =	stream.indirect.scatter.add.f32 [tilespmem:s16], [sflag:$0x5], $0x90, s7, s15, $0xb8;
	[tilespmem:$0x1FC30] =	vst v63  }
0x13f: {  	_ =	swait.ge [sflag:s19], $0x4650  }
0x140: {  	[sflag:s19] =	ssyncset.done $0x0  }
0x141: {  	[sflag:s19] =	ssyncadd.s32 $0xFFFFB9B0  }
0x142: {  	p1 =	sne.s32 s9, $0x400;
	_ =	swait.ge [sflag:s20], $0x4650  }
.Ltmp0:
0x143: {  	[sflag:s20] =	ssyncset.done $0x0;
	(pc) =	sbr.rel @p1 .LBB2_2-.Ltmp0, $4  }
0x144: {  	[sflag:s20] =	ssyncadd.s32 $0xFFFFB9B0  }
0x145: {  	[spmem:s3] =	stream.indirect.scatter.add.f32 [tilespmem:s17], [sflag:$0x6], $0x90, s8, s15, $0xb8;
	[tilespmem:$0x1FC30] =	vst v63  }
0x146: {  	_ =	swait.ge [sflag:s21], $0x4650  }
0x147: {  	s9 =	sadd.s32 $0x100, s9;
	s10 =	rddreg [dreg:$0x5];
	[sflag:s21] =	ssyncset.done $0x0  }
0x148: {  	s9 =	rddreg [dreg:$0x4];
	[sflag:s21] =	ssyncadd.s32 $0xFFFFB9B0;
	s10 =	sadd.s32 s25, s10  }
0x149: {  	[tilespmem:s4], [sflag:$0x1] =	stream.linear.gather [hbm4b:s10+s4], $0x800, $0x38;
	[tilespmem:$0x1FC30] =	vst v63  }
0x14a: {  	s9 =	sadd.s32 s25, s9  }
0x14b: {  	[tilespmem:s12], [sflag:$0x2] =	stream.linear.gather [hbm4b:s9+s4], $0x800, $0x38;
	[tilespmem:$0x1FC30] =	vst v63  }
0x14c: {  	_ =	swait.ge [sflag:s13], $0x800  }
0x14d: {  	[sflag:s13] =	ssyncset.done $0x0  }
0x14e: {  	[sflag:s13] =	ssyncadd.s32 $0xFFFFF800  }
0x14f: {  	_ =	swait.ge [sflag:s14], $0x800  }
0x150: {  	[sflag:s14] =	ssyncset.done $0x0  }
0x151: {  	[sflag:s14] =	ssyncadd.s32 $0xFFFFF800  }
0x152: {  	[tilespmem:s16], [sflag:$0x3] =	stream.indirect.gather [hbm4b:s5+s15], $0x90, s4, s15, $0xb8;
	[tilespmem:$0x1FC30] =	vst v63  }
0x153: {  	s25 =	rddreg [dreg:$0x6]  }
0x154: {  	[tilespmem:s17], [sflag:$0x4] =	stream.indirect.gather [hbm4b:s5+s15], $0x90, s25, s15, $0xb8;
	[tilespmem:$0x1FC30] =	vst v63  }
0x155: {  	_ =	swait.ge [sflag:s18], $0x4650  }
0x156: {  	[sflag:s18] =	ssyncset.done $0x0  }
0x157: {  	[sflag:s18] =	ssyncadd.s32 $0xFFFFB9B0  }
0x158: {  	[spmem:s3] =	stream.indirect.scatter.add.f32 [tilespmem:s16], [sflag:$0x5], $0x90, s12, s15, $0xb8;
	[tilespmem:$0x1FC30] =	vst v63  }
0x159: {  	_ =	swait.ge [sflag:s19], $0x4650  }
0x15a: {  	[sflag:s19] =	ssyncset.done $0x0  }
0x15b: {  	s10 =	rddreg [dreg:$0x7];
	[sflag:s19] =	ssyncadd.s32 $0xFFFFB9B0  }
0x15c: {  	[tilespmem:s16], [sflag:$0x3] =	stream.indirect.gather [hbm4b:s5+s15], $0x90, s10, s15, $0xb8;
	[tilespmem:$0x1FC30] =	vst v63  }
0x15d: {  	_ =	swait.ge [sflag:s20], $0x4650  }
0x15e: {  	[sflag:s20] =	ssyncset.done $0x0  }
0x15f: {  	s11 =	rddreg [dreg:$0x8];
	[sflag:s20] =	ssyncadd.s32 $0xFFFFB9B0  }
0x160: {  	[spmem:s3] =	stream.indirect.scatter.add.f32 [tilespmem:s17], [sflag:$0x6], $0x90, s11, s15, $0xb8;
	[tilespmem:$0x1FC30] =	vst v63  }
0x161: {  	_ =	swait.ge [sflag:s21], $0x4650  }
0x162: {  	[sflag:s21] =	ssyncset.done $0x0  }
0x163: {  	s22 =	rddreg [dreg:$0x9];
	[sflag:s21] =	ssyncadd.s32 $0xFFFFB9B0  }
0x164: {  	[tilespmem:s17], [sflag:$0x4] =	stream.indirect.gather [hbm4b:s5+s15], $0x90, s22, s15, $0xb8;
	[tilespmem:$0x1FC30] =	vst v63  }
0x165: {  	_ =	swait.ge [sflag:s18], $0x4650  }
0x166: {  	[sflag:s18] =	ssyncset.done $0x0  }
0x167: {  	s25 =	rddreg [dreg:$0xa];
	[sflag:s18] =	ssyncadd.s32 $0xFFFFB9B0  }
0x168: {  	[spmem:s3] =	stream.indirect.scatter.add.f32 [tilespmem:s16], [sflag:$0x5], $0x90, s25, s15, $0xb8;
	[tilespmem:$0x1FC30] =	vst v63  }
0x169: {  	_ =	swait.ge [sflag:s19], $0x4650  }
0x16a: {  	[sflag:s19] =	ssyncset.done $0x0  }
0x16b: {  	s10 =	rddreg [dreg:$0xb];
	[sflag:s19] =	ssyncadd.s32 $0xFFFFB9B0  }
0x16c: {  	[tilespmem:s16], [sflag:$0x3] =	stream.indirect.gather [hbm4b:s5+s15], $0x90, s10, s15, $0xb8;
	[tilespmem:$0x1FC30] =	vst v63  }
0x16d: {  	_ =	swait.ge [sflag:s20], $0x4650  }
0x16e: {  	[sflag:s20] =	ssyncset.done $0x0  }
0x16f: {  	s11 =	rddreg [dreg:$0xc];
	[sflag:s20] =	ssyncadd.s32 $0xFFFFB9B0  }
0x170: {  	[spmem:s3] =	stream.indirect.scatter.add.f32 [tilespmem:s17], [sflag:$0x6], $0x90, s11, s15, $0xb8;
	[tilespmem:$0x1FC30] =	vst v63  }
0x171: {  	_ =	swait.ge [sflag:s21], $0x4650  }
0x172: {  	[sflag:s21] =	ssyncset.done $0x0  }
0x173: {  	s22 =	rddreg [dreg:$0xd];
	[sflag:s21] =	ssyncadd.s32 $0xFFFFB9B0  }
0x174: {  	[tilespmem:s17], [sflag:$0x4] =	stream.indirect.gather [hbm4b:s5+s15], $0x90, s22, s15, $0xb8;
	[tilespmem:$0x1FC30] =	vst v63  }
0x175: {  	_ =	swait.ge [sflag:s18], $0x4650  }
0x176: {  	[sflag:s18] =	ssyncset.done $0x0  }
0x177: {  	s25 =	rddreg [dreg:$0xe];
	[sflag:s18] =	ssyncadd.s32 $0xFFFFB9B0  }
0x178: {  	[spmem:s3] =	stream.indirect.scatter.add.f32 [tilespmem:s16], [sflag:$0x5], $0x90, s25, s15, $0xb8;
	[tilespmem:$0x1FC30] =	vst v63  }
0x179: {  	_ =	swait.ge [sflag:s19], $0x4650  }
0x17a: {  	[sflag:s19] =	ssyncset.done $0x0  }
0x17b: {  	s10 =	rddreg [dreg:$0xf];
	[sflag:s19] =	ssyncadd.s32 $0xFFFFB9B0  }
0x17c: {  	[tilespmem:s16], [sflag:$0x3] =	stream.indirect.gather [hbm4b:s5+s15], $0x90, s10, s15, $0xb8;
	[tilespmem:$0x1FC30] =	vst v63  }
0x17d: {  	_ =	swait.ge [sflag:s20], $0x4650  }
0x17e: {  	[sflag:s20] =	ssyncset.done $0x0  }
0x17f: {  	s11 =	rddreg [dreg:$0x10];
	[sflag:s20] =	ssyncadd.s32 $0xFFFFB9B0  }
0x180: {  	[spmem:s3] =	stream.indirect.scatter.add.f32 [tilespmem:s17], [sflag:$0x6], $0x90, s11, s15, $0xb8;
	[tilespmem:$0x1FC30] =	vst v63  }
0x181: {  	_ =	swait.ge [sflag:s21], $0x4650  }
0x182: {  	[sflag:s21] =	ssyncset.done $0x0  }
0x183: {  	s22 =	rddreg [dreg:$0x11];
	[sflag:s21] =	ssyncadd.s32 $0xFFFFB9B0  }
0x184: {  	[tilespmem:s17], [sflag:$0x4] =	stream.indirect.gather [hbm4b:s5+s15], $0x90, s22, s15, $0xb8;
	[tilespmem:$0x1FC30] =	vst v63  }
0x185: {  	_ =	swait.ge [sflag:s18], $0x4650  }
0x186: {  	[sflag:s18] =	ssyncset.done $0x0  }
0x187: {  	s25 =	rddreg [dreg:$0x12];
	[sflag:s18] =	ssyncadd.s32 $0xFFFFB9B0  }
0x188: {  	[spmem:s3] =	stream.indirect.scatter.add.f32 [tilespmem:s16], [sflag:$0x5], $0x90, s25, s15, $0xb8;
	[tilespmem:$0x1FC30] =	vst v63  }
0x189: {  	_ =	swait.ge [sflag:s19], $0x4650  }
0x18a: {  	[sflag:s19] =	ssyncset.done $0x0  }
0x18b: {  	s10 =	rddreg [dreg:$0x13];
	[sflag:s19] =	ssyncadd.s32 $0xFFFFB9B0  }
0x18c: {  	[tilespmem:s16], [sflag:$0x3] =	stream.indirect.gather [hbm4b:s5+s15], $0x90, s10, s15, $0xb8;
	[tilespmem:$0x1FC30] =	vst v63  }
0x18d: {  	_ =	swait.ge [sflag:s20], $0x4650  }
0x18e: {  	[sflag:s20] =	ssyncset.done $0x0  }
0x18f: {  	s11 =	rddreg [dreg:$0x14];
	[sflag:s20] =	ssyncadd.s32 $0xFFFFB9B0  }
0x190: {  	[spmem:s3] =	stream.indirect.scatter.add.f32 [tilespmem:s17], [sflag:$0x6], $0x90, s11, s15, $0xb8;
	[tilespmem:$0x1FC30] =	vst v63  }
0x191: {  	_ =	swait.ge [sflag:s21], $0x4650  }
0x192: {  	[sflag:s21] =	ssyncset.done $0x0  }
0x193: {  	s22 =	rddreg [dreg:$0x15];
	[sflag:s21] =	ssyncadd.s32 $0xFFFFB9B0  }
0x194: {  	[tilespmem:s17], [sflag:$0x4] =	stream.indirect.gather [hbm4b:s5+s15], $0x90, s22, s15, $0xb8;
	[tilespmem:$0x1FC30] =	vst v63  }
0x195: {  	_ =	swait.ge [sflag:s18], $0x4650  }
0x196: {  	[sflag:s18] =	ssyncset.done $0x0  }
0x197: {  	s25 =	simm.s32 $0xC00;
	[sflag:s18] =	ssyncadd.s32 $0xFFFFB9B0  }
0x198: {  	[spmem:s3] =	stream.indirect.scatter.add.f32 [tilespmem:s16], [sflag:$0x5], $0x90, s25, s15, $0xb8;
	[tilespmem:$0x1FC30] =	vst v63  }
0x199: {  	_ =	swait.ge [sflag:s19], $0x4650  }
0x19a: {  	[sflag:s19] =	ssyncset.done $0x0  }
0x19b: {  	[sflag:s19] =	ssyncadd.s32 $0xFFFFB9B0  }
0x19c: {  	[tilespmem:s16], [sflag:$0x3] =	stream.indirect.gather [hbm4b:s5+s15], $0x90, s23, s15, $0xb8;
	[tilespmem:$0x1FC30] =	vst v63  }
0x19d: {  	_ =	swait.ge [sflag:s20], $0x4650  }
0x19e: {  	[sflag:s20] =	ssyncset.done $0x0  }
0x19f: {  	[sflag:s20] =	ssyncadd.s32 $0xFFFFB9B0  }
0x1a0: {  	[spmem:s3] =	stream.indirect.scatter.add.f32 [tilespmem:s17], [sflag:$0x6], $0x90, s24, s15, $0xb8;
	[tilespmem:$0x1FC30] =	vst v63  }
0x1a1: {  	_ =	swait.ge [sflag:s21], $0x4650  }
0x1a2: {  	[sflag:s21] =	ssyncset.done $0x0  }
0x1a3: {  	[sflag:s21] =	ssyncadd.s32 $0xFFFFB9B0  }
0x1a4: {  	[tilespmem:s17], [sflag:$0x4] =	stream.indirect.gather [hbm4b:s5+s15], $0x90, s26, s15, $0xb8;
	[tilespmem:$0x1FC30] =	vst v63  }
0x1a5: {  	_ =	swait.ge [sflag:s18], $0x4650  }
0x1a6: {  	[sflag:s18] =	ssyncset.done $0x0  }
0x1a7: {  	[sflag:s18] =	ssyncadd.s32 $0xFFFFB9B0  }
0x1a8: {  	[spmem:s3] =	stream.indirect.scatter.add.f32 [tilespmem:s16], [sflag:$0x5], $0x90, s28, s15, $0xb8;
	[tilespmem:$0x1FC30] =	vst v63  }
0x1a9: {  	_ =	swait.ge [sflag:s19], $0x4650  }
0x1aa: {  	[sflag:s19] =	ssyncset.done $0x0  }
0x1ab: {  	[sflag:s19] =	ssyncadd.s32 $0xFFFFB9B0  }
0x1ac: {  	[tilespmem:s16], [sflag:$0x3] =	stream.indirect.gather [hbm4b:s5+s15], $0x90, s29, s15, $0xb8;
	[tilespmem:$0x1FC30] =	vst v63  }
0x1ad: {  	_ =	swait.ge [sflag:s20], $0x4650  }
0x1ae: {  	[sflag:s20] =	ssyncset.done $0x0  }
0x1af: {  	[sflag:s20] =	ssyncadd.s32 $0xFFFFB9B0  }
0x1b0: {  	[spmem:s3] =	stream.indirect.scatter.add.f32 [tilespmem:s17], [sflag:$0x6], $0x90, s30, s15, $0xb8;
	[tilespmem:$0x1FC30] =	vst v63  }
0x1b1: {  	_ =	swait.ge [sflag:s21], $0x4650  }
0x1b2: {  	[sflag:s21] =	ssyncset.done $0x0  }
0x1b3: {  	[sflag:s21] =	ssyncadd.s32 $0xFFFFB9B0  }
0x1b4: {  	[tilespmem:s17], [sflag:$0x4] =	stream.indirect.gather [hbm4b:s5+s15], $0x90, s31, s15, $0xb8;
	[tilespmem:$0x1FC30] =	vst v63  }
0x1b5: {  	_ =	swait.ge [sflag:s18], $0x4650  }
0x1b6: {  	[sflag:s18] =	ssyncset.done $0x0  }
0x1b7: {  	[sflag:s18] =	ssyncadd.s32 $0xFFFFB9B0  }
0x1b8: {  	[spmem:s3] =	stream.indirect.scatter.add.f32 [tilespmem:s16], [sflag:$0x5], $0x90, s1, s15, $0xb8;
	[tilespmem:$0x1FC30] =	vst v63  }
0x1b9: {  	_ =	swait.ge [sflag:s19], $0x4650  }
0x1ba: {  	[sflag:s19] =	ssyncset.done $0x0  }
0x1bb: {  	[sflag:s19] =	ssyncadd.s32 $0xFFFFB9B0  }
0x1bc: {  	[tilespmem:s16], [sflag:$0x3] =	stream.indirect.gather [hbm4b:s5+s15], $0x90, s0, s15, $0xb8;
	[tilespmem:$0x1FC30] =	vst v63  }
0x1bd: {  	_ =	swait.ge [sflag:s20], $0x4650  }
0x1be: {  	[sflag:s20] =	ssyncset.done $0x0  }
0x1bf: {  	[sflag:s20] =	ssyncadd.s32 $0xFFFFB9B0  }
0x1c0: {  	[spmem:s3] =	stream.indirect.scatter.add.f32 [tilespmem:s17], [sflag:$0x6], $0x90, s2, s15, $0xb8;
	[tilespmem:$0x1FC30] =	vst v63  }
0x1c1: {  	_ =	swait.ge [sflag:s21], $0x4650  }
0x1c2: {  	[sflag:s21] =	ssyncset.done $0x0  }
0x1c3: {  	[sflag:s21] =	ssyncadd.s32 $0xFFFFB9B0  }
0x1c4: {  	[tilespmem:s17], [sflag:$0x4] =	stream.indirect.gather [hbm4b:s5+s15], $0x90, s6, s15, $0xb8;
	[tilespmem:$0x1FC30] =	vst v63  }
0x1c5: {  	_ =	swait.ge [sflag:s18], $0x4650  }
0x1c6: {  	[sflag:s18] =	ssyncset.done $0x0  }
0x1c7: {  	[sflag:s18] =	ssyncadd.s32 $0xFFFFB9B0  }
0x1c8: {  	[spmem:s3] =	stream.indirect.scatter.add.f32 [tilespmem:s16], [sflag:$0x5], $0x90, s7, s15, $0xb8;
	[tilespmem:$0x1FC30] =	vst v63  }
0x1c9: {  	_ =	swait.ge [sflag:s19], $0x4650  }
0x1ca: {  	[sflag:s19] =	ssyncset.done $0x0  }
0x1cb: {  	[sflag:s19] =	ssyncadd.s32 $0xFFFFB9B0  }
0x1cc: {  	_ =	swait.ge [sflag:s20], $0x4650  }
0x1cd: {  	[sflag:s20] =	ssyncset.done $0x0  }
0x1ce: {  	[sflag:s20] =	ssyncadd.s32 $0xFFFFB9B0  }
0x1cf: {  	[spmem:s3] =	stream.indirect.scatter.add.f32 [tilespmem:s17], [sflag:$0x6], $0x90, s8, s15, $0xb8;
	[tilespmem:$0x1FC30] =	vst v63  }
0x1d0: {  	_ =	swait.ge [sflag:s21], $0x4650  }
0x1d1: {  	[sflag:s21] =	ssyncset.done $0x0  }
0x1d2: {  	[sflag:s21] =	ssyncadd.s32 $0xFFFFB9B0  }
0x1d3: {  	[bflag:$0x0] =	sbarrier.arrive $0xFFFF  }
0x1d4: {  	s10 =	rddreg [dreg:$0x17]  }
0x1d5: {  	s9 =	simm.s32 @p0 $0x1FC7;
	s22 =	rddreg [dreg:$0x19]  }
0x1d6: {  	[hbm:s10], [sflag:s9] =	dma.local @p0 [spmem:s22], $0x2490  }
0x1d7: {  	s9 =	simm.s32 @p0 $0x7  }
0x1d8: {  	_ =	swait.ge @p0 [sflag:s9], $0x2490  }
0x1d9: {  	s11 =	rddreg [dreg:$0x1a]  }
0x1da: {  	[sflag:s9] =	ssyncset.done @p0 $0x0;
	s10 =	rddreg [dreg:$0x1c]  }
0x1db: {  	[sflag:s9] =	ssyncadd.s32 @p0 $0xFFFFDB70;
	s9 =	rddreg [dreg:$0x16]  }
0x1dc: {  	[hbm:s9], [sflag:s11] =	dma.local @!p0 [spmem:s10], $0x2C70  }
0x1dd: {  	s9 =	simm.s32 @!p0 $0x7  }
0x1de: {  	_ =	swait.ge @!p0 [sflag:s9], $0x2C70  }
0x1df: {  	s10 =	rddreg [dreg:$0x1d]  }
0x1e0: {  	s25 =	sadd.s32 $0x1, s10;
	s10 =	rddreg [dreg:$0x18]  }
0x1e1: {  	p1 =	sne.s32 s25, s10  }
.Ltmp1:
0x1e2: {  	_ = 	snop;
	(pc) =	sbr.rel @p1 .LBB2_1-.Ltmp1, $3  }
0x1e3: {  	_ =	sdelay $0x1  }
0x1e4: {  	[sflag:s9] =	ssyncset.done @!p0 $0x0  }
0x1e5: {  	[sflag:s9] =	ssyncadd.s32 @!p0 $0xFFFFD390  }
0x1e6: {  	_ =	sfence.sel $0x180000  }
0x1e7: {  	[bflag:$0x0] =	sbarrier.arrive $0xFFFF  }
0x1e8: {  	_ =	strace $0x90000047  }
0x1e9: {  	s0 =	stileid.u32;
	[bflag:$0x2] =	sbarrier.arrive $0xFFFF  }
0x1ea: {  	p0 =	sne.s32 s0, $0x0;
	s0 =	rddreg [dreg:$0x3]  }
0x1eb: {  	s0 =	sadd.s32 @!p0 $0x100000, s0  }
0x1ec: {  	[sflag:s0] =	ssyncadd.tile.s32 @!p0 $0x1;
	_ =	shalt  }
.Lfunc_end2:
_tile_overlayer_lowered:
.L_overlay_start_2:
0x1ed: {  	(tag) =	ssettag $0x2  }
0x1ee: {  	s0 =	rddreg [dreg:$0x0];
	s2 =	stileid.u32  }
0x1ef: {  	s1 =	rddreg [dreg:$0x1];
	p0 =	sne.s32 s2, $0x0  }
0x1f0: {  	s3 =	rddreg [dreg:$0x2];
	[bflag:$0x3] =	sbarrier.arrive $0xFFFF;
	s2 =	simm.s32 @!p0 $0x1C07  }
0x1f1: {  	[timem:s3], [sflag:s2] =	dma.local @!p0 [hbm:s0], s1  }
0x1f2: {  	s0 =	simm.s32 @!p0 $0x7  }
0x1f3: {  	_ =	swait.ge @!p0 [sflag:s0], s1  }
0x1f4: {  	s1 =	ssub.s32 @!p0 $0x0, s1;
	[sflag:s0] =	ssyncset.done @!p0 $0x0  }
0x1f5: {  	[sflag:s0] =	ssyncadd.s32 @!p0 s1  }
0x1f6: {  	[bflag:$0x3] =	sbarrier.arrive $0xFFFF  }
0x1f7: {  	_ =	shalt  }

// kernel: kernel.9.cloned.1.call-start
scs
__scs_entry_jumppad:
0x0: {  	(pc) =	sbr.rel $0x88, $3  }
0x1: {  	(tag) =	ssettag $0x0;
	lr =	simm.s32 $0x1  }
0x2: {  	[smem:$0x3F99] =	sst lr;
	_ =	strace $0xD0000000  }
0x3: {  	_ = 	snop  }
0x4: {  	_ = 	snop  }
0x5: {  	_ = 	snop  }
0x6: {  	_ = 	snop  }
0x7: {  	_ = 	snop  }
__scs_overlays_trampoline_lowered:
0x8: {  	[smem:$0x3FA8] =	sst s0  }
0x9: {  	[smem:$0x3FA9] =	sst s1  }
0xa: {  	[smem:$0x3FAA] =	sst s2  }
0xb: {  	[smem:$0x3FAB] =	sst s3  }
0xc: {  	[smem:$0x3FAC] =	sst s4  }
0xd: {  	[smem:$0x3FAD] =	sst s5  }
0xe: {  	[smem:$0x3FAE] =	sst s6  }
0xf: {  	[smem:$0x3FAF] =	sst s7  }
0x10: {  	[smem:$0x3FB0] =	sst s8  }
0x11: {  	[smem:$0x3FB1] =	sst s9;
	s0 =	simm.s32 @!p0 $0x0  }
0x12: {  	s1 =	sld [smem:$0x3F97];
	s0 =	simm.s32 @p0 $0x1  }
0x13: {  	[smem:$0x3FB2] =	sst s0;
	s0 =	simm.s32 @!p1 $0x0  }
0x14: {  	s2 =	sld [smem:$0x3F96];
	s0 =	simm.s32 @p1 $0x1  }
0x15: {  	[smem:$0x3FB3] =	sst s0;
	s0 =	simm.s32 @!p2 $0x0  }
0x16: {  	s3 =	sld [smem:$0x3FDB];
	s0 =	simm.s32 @p2 $0x1  }
0x17: {  	s4 =	simm.s32 $0x1BF5;
	[smem:$0x3FB5] =	sst s0  }
0x18: {  	s0 =	sld [smem:$0x3F98];
	_ =	swait.ge [sflag:s4], $0x0  }
0x19: {  	s7 =	sld [smem:$0x3F99]  }
0x1a: {  	s8 =	sadd.s32 $0xFFFFE003, lr  }
0x1b: {  	s9 =	sadd.s32 $0xFFFFFEF7, lr;
	s5 =	simm.s32 $0xFFFFFFFF;
	p2 =	slt.u32 s8, $0xFFFFF086  }
0x1c: {  	p1 =	slt.u32 s9, $0xF7A;
	s5 =	simm.s32 @!p2 $0x0  }
0x1d: {  	s5 =	simm.s32 @p1 $0x1;
	p0 =	seq.s32 s7, s2  }
0x1e: {  	s7 =	smul.u32 @!p0 $0xF7A, s2;
	p2 =	seq.s32 @!p0 s5, $0x0  }
0x1f: {  	s9 =	smul.u32 $0xF7A, s1;
	s8 =	simm.s32 @!p0 $0x1BF5;
	p2 =	por !p2, p0  }
0x20: {  	[sflag:s8] =	ssyncset.s32 @!p0 $0xFFFFF086;
	s6 =	sadd.s32 @!p0 s3, s7;
	s7 =	simm.s32 @!p0 $0x108  }
0x21: {  	s3 =	sadd.s32 s3, s9;
	s6 =	sadd.s32 @!p0 $0x88, s6;
	s7 =	simm.s32 @p2 $0x1082  }
0x22: {  	[simem:s7], [sflag:s8] =	dma.local @!p0 [hbm:s6], $0xF7A  }
0x23: {  	s9 =	sor.u32 $0xD0000000, s2;
	s6 =	simm.s32 $0x108;
	_ =	swait.ge @!p0 [sflag:s8], $0x0  }
0x24: {  	s3 =	sadd.s32 $0x88, s3;
	s6 =	simm.s32 @!p1 $0x1082;
	[sflag:s4] =	ssyncset.s32 $0xFFFFF086  }
0x25: {  	[simem:s6], [sflag:s4] =	dma.local [hbm:s3], $0xF7A  }
0x26: {  	[smem:$0x3F99] =	sst s1;
	(tag) =	ssettag s2;
	_ =	strace s9  }
0x27: {  	s1 =	sld [smem:$0x3FA9]  }
0x28: {  	s2 =	sld [smem:$0x3FAA]  }
0x29: {  	s4 =	sld [smem:$0x3FAC]  }
0x2a: {  	p0 =	seq.s32 s5, $0x0;
	s5 =	sld [smem:$0x3FAD]  }
0x2b: {  	s6 =	sld [smem:$0x3FAE]  }
0x2c: {  	s7 =	sld [smem:$0x3FAF]  }
0x2d: {  	s3 =	simm.s32 $0x108;
	s8 =	sld [smem:$0x3FB0]  }
0x2e: {  	s3 =	simm.s32 @!p0 $0x1082;
	s9 =	sld [smem:$0x3FB1]  }
0x2f: {  	lr =	sadd.s32 s0, s3;
	s0 =	sld [smem:$0x3FA8]  }
0x30: {  	s3 =	sld [smem:$0x3FAB]  }
0x31: {  	[smem:$0x3FB4] =	sst s10  }
0x32: {  	s10 =	sld [smem:$0x3FB2];
	_ =	sdelay $0x3  }
0x33: {  	p0 =	seq.s32 s10, $0x1;
	s10 =	sld [smem:$0x3FB4];
	_ =	sdelay $0x3  }
0x34: {  	[smem:$0x3FB4] =	sst s10  }
0x35: {  	s10 =	sld [smem:$0x3FB3];
	_ =	sdelay $0x3  }
0x36: {  	p1 =	seq.s32 s10, $0x1;
	s10 =	sld [smem:$0x3FB4];
	_ =	sdelay $0x3  }
0x37: {  	[smem:$0x3FB4] =	sst s10  }
0x38: {  	s10 =	sld [smem:$0x3FB5]  }
0x39: {  	_ = 	snop;
	(pc) =	sbr.ind lr, $3  }
0x3a: {  	_ = 	snop  }
0x3b: {  	_ = 	snop  }
0x3c: {  	p2 =	seq.s32 s10, $0x1;
	s10 =	sld [smem:$0x3FB4]  }
0x3d: {  	_ =	shalt  }
0x3e: {  	_ =	shalt  }
0x3f: {  	_ =	shalt  }
0x40: {  	_ =	shalt  }
0x41: {  	_ =	shalt  }
0x42: {  	_ =	shalt  }
0x43: {  	_ =	shalt  }
0x44: {  	_ =	shalt  }
0x45: {  	_ =	shalt  }
0x46: {  	_ =	shalt  }
0x47: {  	_ =	shalt  }
0x48: {  	_ =	shalt  }
0x49: {  	_ =	shalt  }
0x4a: {  	_ =	shalt  }
0x4b: {  	_ =	shalt  }
0x4c: {  	_ =	shalt  }
0x4d: {  	_ =	shalt  }
0x4e: {  	_ =	shalt  }
0x4f: {  	_ =	shalt  }
0x50: {  	_ =	shalt  }
0x51: {  	_ =	shalt  }
0x52: {  	_ =	shalt  }
0x53: {  	_ =	shalt  }
0x54: {  	_ =	shalt  }
0x55: {  	_ =	shalt  }
0x56: {  	_ =	shalt  }
0x57: {  	_ =	shalt  }
0x58: {  	_ =	shalt  }
0x59: {  	_ =	shalt  }
0x5a: {  	_ =	shalt  }
0x5b: {  	_ =	shalt  }
0x5c: {  	_ =	shalt  }
0x5d: {  	_ =	shalt  }
0x5e: {  	_ =	shalt  }
0x5f: {  	_ =	shalt  }
0x60: {  	_ =	shalt  }
0x61: {  	_ =	shalt  }
0x62: {  	_ =	shalt  }
0x63: {  	_ =	shalt  }
0x64: {  	_ =	shalt  }
0x65: {  	_ =	shalt  }
0x66: {  	_ =	shalt  }
0x67: {  	_ =	shalt  }
0x68: {  	_ =	shalt  }
0x69: {  	_ =	shalt  }
0x6a: {  	_ =	shalt  }
0x6b: {  	_ =	shalt  }
0x6c: {  	_ =	shalt  }
0x6d: {  	_ =	shalt  }
0x6e: {  	_ =	shalt  }
0x6f: {  	_ =	shalt  }
0x70: {  	_ =	shalt  }
0x71: {  	_ =	shalt  }
0x72: {  	_ =	shalt  }
0x73: {  	_ =	shalt  }
0x74: {  	_ =	shalt  }
0x75: {  	_ =	shalt  }
0x76: {  	_ =	shalt  }
0x77: {  	_ =	shalt  }
0x78: {  	_ =	shalt  }
0x79: {  	_ =	shalt  }
0x7a: {  	_ =	shalt  }
0x7b: {  	_ =	shalt  }
0x7c: {  	_ =	shalt  }
0x7d: {  	_ =	shalt  }
0x7e: {  	_ =	shalt  }
0x7f: {  	_ =	shalt  }
0x80: {  	_ =	shalt  }
0x81: {  	_ =	shalt  }
0x82: {  	_ =	shalt  }
0x83: {  	_ =	shalt  }
0x84: {  	_ =	shalt  }
0x85: {  	_ =	shalt  }
0x86: {  	_ =	shalt  }
0x87: {  	_ =	shalt  }
.Lfunc_end0:
.L_simem_size_0:
called_computation.1_lowered:
.L_overlay_start_0:
0x88: {  	s2 =	sld [smem:$0x3FD9]  }
0x89: {  	s3 =	sld [smem:$0x3FFE];
	_ =	sdelay $0x1  }
0x8a: {  	s1 =	srdreg.scid  }
0x8b: {  	s0 =	sand.u32 $0x1, s1  }
0x8c: {  	s17 =	sshll.u32 s0, $0xA;
	s2 =	sadd.s32 s3, s2  }
0x8d: {  	s2 =	sadd.s32 s2, s17  }
0x8e: {  	[smem:$0x3FC0] =	sst s2  }
0x8f: {  	_ = 	snop  }
0x90: {  	s2 =	sld [smem:$0x3FD0];
	(tm) =	ssettm $0x1  }
0x91: {  	s18 =	sld [smem:$0x3FFB];
	_ =	sdelay $0x3  }
0x92: {  	_ =	strace s18  }
0x93: {  	s3 =	sld [smem:$0x3FFC];
	_ =	sdelay $0x3  }
0x94: {  	_ =	strace s3  }
0x95: {  	s3 =	sld [smem:$0x3FFD];
	_ =	sdelay $0x3  }
0x96: {  	_ =	strace s3  }
0x97: {  	_ =	strace $0x8FFFFFFF  }
0x98: {  	s19 =	sld [smem:$0x3FDB];
	_ =	sdelay $0x1  }
0x99: {  	s4 =	simm.s32 $_scs_section_size  }
0x9a: {  	s5 =	simm.s32 $_size__tile_overlayer_lowered;
	s6 =	simm.s32 $_tile_overlayer_lowered  }
0x9b: {  	s22 =	simm.s32 $0x1BFF;
	s21 =	sshll.u32 s6, $0x1;
	s3 =	sadd.s32 s4, s19  }
0x9c: {  	s7 =	simm.s32 $0x0;
	s20 =	sshll.u32 s5, $0x1;
	s5 =	sadd.s32 s21, s3  }
0x9d: {  	[timem:s7], [sflag:s22] =	dma.local [hbm:s5], s20  }
0x9e: {  	_ =	swait.ge [sflag:s22], s20  }
0x9f: {  	s4 =	ssub.s32 $0x0, s20;
	[sflag:s22] =	ssyncset.done $0x0  }
0xa0: {  	[sflag:s22] =	ssyncadd.s32 s4;
	_ =	sdelay $0x1  }
0xa1: {  	s23 =	simm.s32 $0x1B8B  }
0xa2: {  	_ =	swait.ge [sflag:s23], $0x1  }
0xa3: {  	[sflag:s23] =	ssyncset.done $0x0  }
0xa4: {  	s25 =	simm.s32 $0x1B8E;
	s24 =	sld [smem:$0x3FFE];
	[sflag:s23] =	ssyncadd.s32 $0xFFFFFFFF  }
0xa5: {  	s26 =	simm.s32 $execute0_lowered;
	[smem:$0x3FD2] =	sst s25  }
0xa6: {  	s5 =	sshll.u32 s26, $0x1;
	_ =	strace $0x80000049;
	[dreg:$0x1] =	wrdreg $0xFFFFFFFF  }
0xa7: {  	s28 =	simm.s32 $_size_execute0_lowered;
	s3 =	sadd.s32 s3, s5;
	[dreg:$0x0] =	wrdreg $0x0  }
0xa8: {  	s5 =	sshll.u32 s28, $0x1;
	[dreg:$0x2] =	wrdreg s3  }
0xa9: {  	[dreg:$0x3] =	wrdreg s5  }
0xaa: {  	[dreg:$0x4] =	wrdreg $0xC0  }
0xab: {  	_ =	task [dreg:s7], $0x5FFFF  }
0xac: {  	[dreg:$0x1] =	wrdreg $0xFFFFFFFF  }
0xad: {  	[dreg:$0x0] =	wrdreg $0x60  }
0xae: {  	[dreg:$0x2] =	wrdreg s2  }
0xaf: {  	[dreg:$0x3] =	wrdreg s24  }
0xb0: {  	[dreg:$0x4] =	wrdreg $0x8E800  }
0xb1: {  	[dreg:$0x5] =	wrdreg $0x9  }
0xb2: {  	_ =	task.clear_ibuf [dreg:s7], $0x6FFFF;
	_ =	strace $0x90000049  }
0xb3: {  	s29 =	simm.s32 $0x9;
	_ =	strace $0x8000004B  }
0xb4: {  	_ =	swait.ge [sflag:s29], $0x1  }
0xb5: {  	[sflag:s29] =	ssyncadd.s32 $0xFFFFFFFF  }
0xb6: {  	_ =	strace $0x9000004B  }
0xb7: {  	_ =	sfence  }
0xb8: {  	s30 =	sld [smem:$0x0];
	_ =	sdelay $0x2  }
0xb9: {  	s31 =	sshll.u32 s1, $0xD;
	s1 =	sshrl.u32 s1, $0x2  }
0xba: {  	s3 =	sand.u32 $0x4000, s31;
	s1 =	sadd.s32 s1, s30  }
0xbb: {  	s0 =	sor.u32 s3, s0;
	s1 =	sshll.u32 s1, $0x11  }
0xbc: {  	s0 =	sor.u32 s1, s0  }
0xbd: {  	s0 =	sadd.s32 $0x8F2B, s0  }
0xbe: {  	[sflag:s0] =	ssyncadd.remote.s32 $0x1  }
0xbf: {  	_ =	sfence.sel $0xFFFF  }
0xc0: {  	[dreg:$0x0] =	wrdreg $0xFFFFFFFF;
	(pc) =	sbr.abs _section_cstart, $3  }
0xc1: {  	[dreg:$0x1] =	wrdreg $0xFFFFFFFF  }
0xc2: {  	_ =	task.clear_ibuf [dreg:s7], $0x2FFFF;
	_ =	strace $0x9FFFFFFF  }
0xc3: {  	(tm) =	ssettm $0x7FFFFFFF  }
tec
execute0_lowered:
.L_overlay_start_1:
0x0: {  	(tag) =	ssettag $0x1  }
0x1: {  	s1 =	rddreg [dreg:$0x0]  }
0x2: {  	s14 =	stileid.u32;
	s6 =	rddreg [dreg:$0x1]  }
0x3: {  	s0 =	srdreg.scid;
	s3 =	rddreg [dreg:$0x2];
	s4 =	simm.s32 $0x0  }
0x4: {  	s15 =	simm.s32 $0x1;
	s16 =	simm.s32 $0x2;
	s17 =	simm.s32 $0x7D  }
0x5: {  	s18 =	simm.s32 $0x5000;
	s20 =	simm.s32 $0x6F40;
	s21 =	simm.s32 $0x3  }
0x6: {  	s22 =	simm.s32 $0x5;
	s28 =	simm.s32 $0x6;
	s29 =	simm.s32 $0x2780  }
0x7: {  	s30 =	simm.s32 $0x4F00;
	s31 =	simm.s32 $0x4F80;
	s2 =	smul.u32 $0x2800, s14  }
0x8: {  	s0 =	sand.u32 $0x1, s0;
	[smem:$0x7FF] =	sst s4;
	s7 =	smul.u32 $0x27800, s14  }
0x9: {  	s10 =	smul.u32 $0x9E00, s14;
	s11 =	sadd.s32 $0x16A00, s6;
	s12 =	sadd.s32 $0x94200, s3  }
0xa: {  	p0 =	seq.s32 s0, $0x0;
	s9 =	smul.u32 $0x9C400, s0;
	s0 =	ssub.s32 $0x2, s0  }
0xb: {  	_ =	strace $0x8000004A;
	s5 =	sadd.s32 $0x28000, s2;
	s24 =	sshrl.u32 s0, $0x1  }
0xc: {  	s7 =	sshrl.u32 s7, $0x2;
	s19 =	sadd.s32 s10, s3;
	s5 =	smov.u32 @p0 s2  }
0xd: {  	s0 =	ssub.s32 s0, s24;
	s13 =	sadd.s32 s7, s3;
	s25 =	sadd.s32 s10, s9  }
0xe: {  	s26 =	sshrl.u32 s9, $0x3;
	p0 =	seq.s32 s14, $0xF;
	s24 =	simm.s32 $0x4  }
0xf: {  	s2 =	sshrl.u32 s5, $0x3;
	s5 =	sadd.s32 $0x15600, s6;
	s8 =	sshrl.u32 s25, $0x3  }
0x10: {  	s10 =	smax.u32 s0, $0x1;
	s0 =	sshll.u32 @!p0 s14, $0x6;
	s13 =	sshrl.u32 @!p0 s13, $0x3  }
0x11: {  	s14 =	simm.s32 $0x2800;
	s25 =	sshrl.u32 @!p0 s19, $0x3;
	s2 =	sadd.s32 s2, s6  }
0x12: {  	s8 =	sadd.s32 s11, s8;
	s6 =	sadd.s32 $0x1600, s2;
	s7 =	sadd.s32 $0xB600, s2  }
0x13: {  	s2 =	sadd.s32 s11, s26;
	s11 =	sshrl.u32 @p0 s12, $0x3;
	s12 =	sor.u32 @!p0 $0x1C07, s0  }
0x14: {  	s26 =	simm.s32 $0x2880;
	s9 =	sadd.s32 $0x12840, s2;
	s2 =	simm.s32 $0x0  }
.LBB2_1:
0x15: {  	s0 =	simm.s32 @p0 $0x1FC7  }
0x16: {  	[spmem:s11], [sflag:s0] =	dma.local @p0 [hbm:s5], $0x1040  }
0x17: {  	s0 =	simm.s32 @p0 $0x7  }
0x18: {  	_ =	swait.ge @p0 [sflag:s0], $0x1040  }
0x19: {  	[sflag:s0] =	ssyncset.done @p0 $0x0  }
0x1a: {  	[sflag:s0] =	ssyncadd.s32 @p0 $0xFFFFEFC0;
	s0 =	simm.s32 @!p0 $0x7  }
0x1b: {  	[spmem:s13], [sflag:s12] =	dma.local @!p0 [hbm:s5], $0x13C0  }
0x1c: {  	_ =	swait.ge @!p0 [sflag:s0], $0x13C0  }
0x1d: {  	[sflag:s0] =	ssyncset.done @!p0 $0x0  }
0x1e: {  	[sflag:s0] =	ssyncadd.s32 @!p0 $0xFFFFEC40  }
0x1f: {  	[bflag:$0x0] =	sbarrier.arrive $0xFFFF  }
0x20: {  	[tilespmem:s4], [sflag:$0x1] =	stream.linear.gather [hbm4b:s6+s4], $0x2800, $0x38;
	[tilespmem:$0x12AC0] =	vst v63  }
0x21: {  	_ = 	snop  }
0x22: {  	[tilespmem:s14], [sflag:$0x2] =	stream.linear.gather [hbm4b:s7+s4], $0x2800, $0x38;
	[tilespmem:$0x12AC0] =	vst v63  }
0x23: {  	_ =	swait.ge [sflag:s15], $0x2800  }
0x24: {  	[sflag:s15] =	ssyncset.done $0x0  }
0x25: {  	[sflag:s15] =	ssyncadd.s32 $0xFFFFD800  }
0x26: {  	_ =	swait.ge [sflag:s16], $0x2800  }
0x27: {  	[sflag:s16] =	ssyncset.done $0x0  }
0x28: {  	[sflag:s16] =	ssyncadd.s32 $0xFFFFD800  }
0x29: {  	[tilespmem:s18], [sflag:$0x3] =	stream.indirect.gather [hbm4b:s1+s17], $0x40, s4, s17, $0xb8;
	[tilespmem:$0x12AC0] =	vst v63  }
0x2a: {  	s23 =	simm.s32 $0x80  }
0x2b: {  	[tilespmem:s20], [sflag:$0x4] =	stream.indirect.gather [hbm4b:s1+s17], $0x40, s23, s17, $0xb8;
	[tilespmem:$0x12AC0] =	vst v63  }
0x2c: {  	_ =	swait.ge [sflag:s21], $0x1F40  }
0x2d: {  	[sflag:s21] =	ssyncset.done $0x0  }
0x2e: {  	[sflag:s21] =	ssyncadd.s32 $0xFFFFE0C0  }
0x2f: {  	[spmem:s3] =	stream.indirect.scatter.add.f32 [tilespmem:s18], [sflag:$0x5], $0x40, s14, s17, $0xb8;
	[tilespmem:$0x12AC0] =	vst v63  }
0x30: {  	_ =	swait.ge [sflag:s22], $0x1F40  }
0x31: {  	[sflag:s22] =	ssyncset.done $0x0  }
0x32: {  	s19 =	simm.s32 $0x100;
	[sflag:s22] =	ssyncadd.s32 $0xFFFFE0C0  }
0x33: {  	[tilespmem:s18], [sflag:$0x3] =	stream.indirect.gather [hbm4b:s1+s17], $0x40, s19, s17, $0xb8;
	[tilespmem:$0x12AC0] =	vst v63  }
0x34: {  	_ =	swait.ge [sflag:s24], $0x1F40  }
0x35: {  	[sflag:s24] =	ssyncset.done $0x0  }
0x36: {  	[sflag:s24] =	ssyncadd.s32 $0xFFFFE0C0  }
0x37: {  	[spmem:s3] =	stream.indirect.scatter.add.f32 [tilespmem:s20], [sflag:$0x6], $0x40, s26, s17, $0xb8;
	[tilespmem:$0x12AC0] =	vst v63  }
0x38: {  	_ =	swait.ge [sflag:s28], $0x1F40  }
0x39: {  	[sflag:s28] =	ssyncset.done $0x0  }
0x3a: {  	s23 =	simm.s32 $0x180;
	[sflag:s28] =	ssyncadd.s32 $0xFFFFE0C0  }
0x3b: {  	[tilespmem:s20], [sflag:$0x4] =	stream.indirect.gather [hbm4b:s1+s17], $0x40, s23, s17, $0xb8;
	[tilespmem:$0x12AC0] =	vst v63  }
0x3c: {  	_ =	swait.ge [sflag:s21], $0x1F40  }
0x3d: {  	[sflag:s21] =	ssyncset.done $0x0  }
0x3e: {  	s19 =	simm.s32 $0x2900;
	[sflag:s21] =	ssyncadd.s32 $0xFFFFE0C0  }
0x3f: {  	[spmem:s3] =	stream.indirect.scatter.add.f32 [tilespmem:s18], [sflag:$0x5], $0x40, s19, s17, $0xb8;
	[tilespmem:$0x12AC0] =	vst v63  }
0x40: {  	_ =	swait.ge [sflag:s22], $0x1F40  }
0x41: {  	[sflag:s22] =	ssyncset.done $0x0  }
0x42: {  	s23 =	simm.s32 $0x200;
	[sflag:s22] =	ssyncadd.s32 $0xFFFFE0C0  }
0x43: {  	[tilespmem:s18], [sflag:$0x3] =	stream.indirect.gather [hbm4b:s1+s17], $0x40, s23, s17, $0xb8;
	[tilespmem:$0x12AC0] =	vst v63  }
0x44: {  	_ =	swait.ge [sflag:s24], $0x1F40  }
0x45: {  	[sflag:s24] =	ssyncset.done $0x0  }
0x46: {  	s0 =	simm.s32 $0xFFFF6C00;
	s19 =	simm.s32 $0x2980;
	[sflag:s24] =	ssyncadd.s32 $0xFFFFE0C0  }
.LBB2_2:
0x47: {  	[spmem:s3] =	stream.indirect.scatter.add.f32 [tilespmem:s20], [sflag:$0x6], $0x40, s19, s17, $0xb8;
	[tilespmem:$0x12AC0] =	vst v63  }
0x48: {  	s19 =	smov.u32 s0  }
0x49: {  	p1 =	sne.s32 s0, $0xFFFFFC00;
	s0 =	sadd.s32 $0x400, s0;
	_ =	swait.ge [sflag:s28], $0x1F40  }
0x4a: {  	s19 =	sshra.s32 s19, $0x2;
	[sflag:s28] =	ssyncset.done $0x0  }
0x4b: {  	s23 =	sadd.s32 $0x2780, s19;
	[sflag:s28] =	ssyncadd.s32 $0xFFFFE0C0  }
0x4c: {  	[tilespmem:s20], [sflag:$0x4] =	stream.indirect.gather [hbm4b:s1+s17], $0x40, s23, s17, $0xb8;
	[tilespmem:$0x12AC0] =	vst v63  }
0x4d: {  	_ =	swait.ge [sflag:s21], $0x1F40  }
0x4e: {  	[sflag:s21] =	ssyncset.done $0x0  }
0x4f: {  	s23 =	sadd.s32 $0x4F00, s19;
	[sflag:s21] =	ssyncadd.s32 $0xFFFFE0C0  }
0x50: {  	[spmem:s3] =	stream.indirect.scatter.add.f32 [tilespmem:s18], [sflag:$0x5], $0x40, s23, s17, $0xb8;
	[tilespmem:$0x12AC0] =	vst v63  }
0x51: {  	_ =	swait.ge [sflag:s22], $0x1F40  }
0x52: {  	[sflag:s22] =	ssyncset.done $0x0  }
.Ltmp0:
0x53: {  	s23 =	sadd.s32 $0x2800, s19;
	[sflag:s22] =	ssyncadd.s32 $0xFFFFE0C0;
	(pc) =	sbr.rel @p1 .LBB2_2-.Ltmp0, $4  }
0x54: {  	[tilespmem:s18], [sflag:$0x3] =	stream.indirect.gather [hbm4b:s1+s17], $0x40, s23, s17, $0xb8;
	[tilespmem:$0x12AC0] =	vst v63  }
0x55: {  	_ =	swait.ge [sflag:s24], $0x1F40  }
0x56: {  	[sflag:s24] =	ssyncset.done $0x0  }
0x57: {  	s19 =	sadd.s32 $0x4F80, s19;
	[sflag:s24] =	ssyncadd.s32 $0xFFFFE0C0  }
0x58: {  	[spmem:s3] =	stream.indirect.scatter.add.f32 [tilespmem:s20], [sflag:$0x6], $0x40, s19, s17, $0xb8;
	[tilespmem:$0x12AC0] =	vst v63  }
0x59: {  	_ =	swait.ge [sflag:s28], $0x1F40  }
0x5a: {  	[sflag:s28] =	ssyncset.done $0x0  }
0x5b: {  	[sflag:s28] =	ssyncadd.s32 $0xFFFFE0C0  }
0x5c: {  	[tilespmem:s20], [sflag:$0x4] =	stream.indirect.gather [hbm4b:s1+s17], $0x40, s29, s17, $0xb8;
	[tilespmem:$0x12AC0] =	vst v63  }
0x5d: {  	_ =	swait.ge [sflag:s21], $0x1F40  }
0x5e: {  	[sflag:s21] =	ssyncset.done $0x0  }
0x5f: {  	[sflag:s21] =	ssyncadd.s32 $0xFFFFE0C0  }
0x60: {  	[spmem:s3] =	stream.indirect.scatter.add.f32 [tilespmem:s18], [sflag:$0x5], $0x40, s30, s17, $0xb8;
	[tilespmem:$0x12AC0] =	vst v63  }
0x61: {  	_ =	swait.ge [sflag:s22], $0x1F40  }
0x62: {  	[sflag:s22] =	ssyncset.done $0x0  }
0x63: {  	[sflag:s22] =	ssyncadd.s32 $0xFFFFE0C0  }
0x64: {  	_ =	swait.ge [sflag:s24], $0x1F40  }
0x65: {  	[sflag:s24] =	ssyncset.done $0x0  }
0x66: {  	[sflag:s24] =	ssyncadd.s32 $0xFFFFE0C0  }
0x67: {  	[spmem:s3] =	stream.indirect.scatter.add.f32 [tilespmem:s20], [sflag:$0x6], $0x40, s31, s17, $0xb8;
	[tilespmem:$0x12AC0] =	vst v63  }
0x68: {  	_ =	swait.ge [sflag:s28], $0x1F40  }
0x69: {  	[sflag:s28] =	ssyncset.done $0x0  }
0x6a: {  	[sflag:s28] =	ssyncadd.s32 $0xFFFFE0C0  }
0x6b: {  	s0 =	simm.s32 @p0 $0x1FC7;
	[bflag:$0x0] =	sbarrier.arrive $0xFFFF  }
0x6c: {  	[hbm:s9], [sflag:s0] =	dma.local @p0 [spmem:s11], $0x1040  }
0x6d: {  	s0 =	simm.s32 @p0 $0x7  }
0x6e: {  	s2 =	sadd.s32 $0x1, s2;
	_ =	swait.ge @p0 [sflag:s0], $0x1040  }
0x6f: {  	p1 =	sne.s32 s2, s10;
	[sflag:s0] =	ssyncset.done @p0 $0x0  }
.Ltmp1:
0x70: {  	[sflag:s0] =	ssyncadd.s32 @p0 $0xFFFFEFC0;
	s0 =	simm.s32 @!p0 $0x7;
	(pc) =	sbr.rel @p1 .LBB2_1-.Ltmp1, $4  }
0x71: {  	[hbm:s8], [sflag:s12] =	dma.local @!p0 [spmem:s25], $0x13C0  }
0x72: {  	_ =	swait.ge @!p0 [sflag:s0], $0x13C0  }
0x73: {  	[sflag:s0] =	ssyncset.done @!p0 $0x0  }
0x74: {  	[sflag:s0] =	ssyncadd.s32 @!p0 $0xFFFFEC40  }
0x75: {  	_ =	sfence.sel $0x180000  }
0x76: {  	[bflag:$0x0] =	sbarrier.arrive $0xFFFF  }
0x77: {  	_ =	strace $0x9000004A  }
0x78: {  	s0 =	stileid.u32;
	[bflag:$0x2] =	sbarrier.arrive $0xFFFF  }
0x79: {  	p0 =	sne.s32 s0, $0x0;
	s0 =	rddreg [dreg:$0x3]  }
0x7a: {  	s0 =	sadd.s32 @!p0 $0x100000, s0  }
0x7b: {  	[sflag:s0] =	ssyncadd.tile.s32 @!p0 $0x1;
	_ =	shalt  }
.Lfunc_end2:
_tile_overlayer_lowered:
.L_overlay_start_2:
0x7c: {  	(tag) =	ssettag $0x2  }
0x7d: {  	s0 =	rddreg [dreg:$0x0];
	s2 =	stileid.u32  }
0x7e: {  	s1 =	rddreg [dreg:$0x1];
	p0 =	sne.s32 s2, $0x0  }
0x7f: {  	s3 =	rddreg [dreg:$0x2];
	[bflag:$0x3] =	sbarrier.arrive $0xFFFF;
	s2 =	simm.s32 @!p0 $0x1C07  }
0x80: {  	[timem:s3], [sflag:s2] =	dma.local @!p0 [hbm:s0], s1  }
0x81: {  	s0 =	simm.s32 @!p0 $0x7  }
0x82: {  	_ =	swait.ge @!p0 [sflag:s0], s1  }
0x83: {  	s1 =	ssub.s32 @!p0 $0x0, s1;
	[sflag:s0] =	ssyncset.done @!p0 $0x0  }
0x84: {  	[sflag:s0] =	ssyncadd.s32 @!p0 s1  }
0x85: {  	[bflag:$0x3] =	sbarrier.arrive $0xFFFF  }
0x86: {  	_ =	shalt  }

</sc_bundles>
